<compile_context>
chip_gen: v7x
topology: tpu7x:2x2x1
jax: 0.10.2.dev20260603
libtpu: 0.0.44.dev20260713+nightly
codegen_flags: <defaults>
</compile_context>

<pallas_src>
import functools

import jax
import jax.numpy as jnp
from jax import lax
from jax.experimental import pallas as pl
from jax.experimental.pallas import tpu as pltpu
from jax.experimental.pallas import tpu_sc as plsc

N = 10000
E = 320000
D = 128
C = 32
H1 = 128
H2 = 128

N_PAD = 12800
N_SPREAD = 2048
NW = 32
KR = (N * C) // NW
CH = 8000
NCH = E // CH
UNROLL = 10
G = 80
NB = 5
NG = KR // G

BA = 512
GA = N_PAD // BA
EB = E // GA


def _mlp1_body(x_blk, col_blk, slot_blk, w1, b1, w2, b2, h_out, key_out):
    i = pl.program_id(0)
    h = jnp.maximum(jnp.dot(x_blk[...], w1[...],
                            preferred_element_type=jnp.float32) + b1[...], 0.0)
    h = jnp.dot(h, w2[...], preferred_element_type=jnp.float32) + b2[...]
    rows = i * BA + lax.broadcasted_iota(jnp.int32, (BA, 1), 0)
    h_out[...] = jnp.where(rows < N, h, 0.0)
    key_out[...] = col_blk[0] * C + slot_blk[...]


def _mlp2_body(slots_blk, x_blk, w2a, w2b, b1, w3, b2, out_blk):
    s = slots_blk[...].reshape(slots_blk.shape[0] // C, C * D)
    a = jnp.dot(s, w2a[...], preferred_element_type=jnp.float32)
    a = a + jnp.dot(x_blk[...], w2b[...], preferred_element_type=jnp.float32)
    a = jnp.maximum(a + b1[...], 0.0)
    out_blk[...] = jnp.dot(a, w3[...], preferred_element_type=jnp.float32) + b2[...]


def _sc_body(key_hbm, row_hbm, h_hbm, out_hbm,
             winner, kb0, kb1, rb0, rb1, es0, es1, *ring):
    rows_bufs = ring[:NB]
    gsems = ring[NB:2 * NB]
    wsems = ring[2 * NB:3 * NB]
    wid = lax.axis_index("s") * 2 + lax.axis_index("c")
    lo = wid * KR

    iota16 = lax.iota(jnp.int32, 16)

    def init(i, _):
        v = i * 16 + iota16
        winner[pl.ds(i * 16, 16)] = N + (v & (N_SPREAD - 1))
        return 0
    lax.fori_loop(0, KR // 16, init, 0)

    kbufs = (kb0, kb1)
    rbufs = (rb0, rb1)
    esems = (es0, es1)

    def fire_edges(cc, b):
        pltpu.async_copy(key_hbm.at[pl.ds(cc * CH, CH)], kbufs[b], esems[b])
        pltpu.async_copy(row_hbm.at[pl.ds(cc * CH, CH)], rbufs[b], esems[b])

    def wait_edges(b):
        pltpu.make_async_copy(key_hbm.at[pl.ds(0, CH)], kbufs[b], esems[b]).wait()
        pltpu.make_async_copy(row_hbm.at[pl.ds(0, CH)], rbufs[b], esems[b]).wait()

    fire_edges(0, 0)

    def scan_group(grp, _):
        for b in range(2):
            cc = 2 * grp + b
            nxt = cc + 1

            @pl.when(nxt < NCH)
            def _():
                fire_edges(nxt, (b + 1) % 2)

            wait_edges(b)
            kb = kbufs[b]
            rb = rbufs[b]

            def scan_vec(j, _):
                for u in range(UNROLL):
                    off = (j * UNROLL + u) * 16
                    k = kb[pl.ds(off, 16)]
                    r = rb[pl.ds(off, 16)]
                    rel = k - lo
                    m = plsc.bitcast(rel, jnp.uint32) < jnp.uint32(KR)
                    plsc.store_scatter(winner, [rel], r, mask=m)
                return 0
            lax.fori_loop(0, CH // (16 * UNROLL), scan_vec, 0)
        return 0
    lax.fori_loop(0, NCH // 2, scan_group, 0)

    def fire_gather(g, b):
        pltpu.async_copy(h_hbm.at[winner.at[pl.ds(g * G, G)]],
                         rows_bufs[b], gsems[b])

    def wait_gather(b):
        pltpu.make_async_copy(h_hbm.at[pl.ds(0, G)], rows_bufs[b],
                              gsems[b]).wait()

    def fire_write(g, b):
        pltpu.async_copy(rows_bufs[b], out_hbm.at[pl.ds(lo + g * G, G)],
                         wsems[b])

    def wait_write(b):
        pltpu.make_async_copy(rows_bufs[b], out_hbm.at[pl.ds(0, G)],
                              wsems[b]).wait()

    for b in range(3):
        fire_gather(b, b)

    def emit_group(grp, _):
        for b in range(NB):
            g = grp * NB + b
            wait_gather(b)
            fire_write(g, b)
            b3 = (b + 3) % NB
            gn = g + 3

            @pl.when(g >= 2)
            def _():
                wait_write(b3)

            @pl.when(gn < NG)
            def _():
                fire_gather(gn, b3)
        return 0
    lax.fori_loop(0, NG // NB, emit_group, 0)
    wait_write((NG - 2) % NB)
    wait_write((NG - 1) % NB)


def kernel(x, edge_index, edge_slot, edge_attr, u, batch,
           m1w1, m1b1, m1w2, m1b2, m2w1, m2b1, m2w2, m2b2):
    EBL = EB // 128
    GX = (N + BA - 1) // BA
    ei4 = edge_index.reshape(2, GA, EBL, 128)
    slot3 = edge_slot.reshape(GA, EBL, 128)

    h_ext, key3 = pl.pallas_call(
        _mlp1_body,
        grid=(GA,),
        in_specs=[
            pl.BlockSpec((BA, D), lambda i: (jnp.minimum(i, GX - 1), 0)),
            pl.BlockSpec((1, 1, EBL, 128), lambda i: (1, i, 0, 0)),
            pl.BlockSpec((1, EBL, 128), lambda i: (i, 0, 0)),
            pl.BlockSpec((D, H1), lambda i: (0, 0)),
            pl.BlockSpec((1, H1), lambda i: (0, 0)),
            pl.BlockSpec((H1, D), lambda i: (0, 0)),
            pl.BlockSpec((1, D), lambda i: (0, 0)),
        ],
        out_specs=[
            pl.BlockSpec((BA, D), lambda i: (i, 0)),
            pl.BlockSpec((1, EBL, 128), lambda i: (i, 0, 0)),
        ],
        out_shape=[
            jax.ShapeDtypeStruct((N_PAD, D), jnp.float32),
            jax.ShapeDtypeStruct((GA, EBL, 128), jnp.int32),
        ],
    )(x, ei4, slot3, m1w1, m1b1.reshape(1, H1), m1w2, m1b2.reshape(1, D))

    key_flat = key3.reshape(E)

    mesh = plsc.VectorSubcoreMesh(core_axis_name="c", subcore_axis_name="s")
    slots2d = pl.kernel(
        _sc_body,
        out_type=jax.ShapeDtypeStruct((N * C, D), jnp.float32),
        mesh=mesh,
        scratch_types=[
            pltpu.VMEM((KR,), jnp.int32),
            pltpu.VMEM((CH,), jnp.int32),
            pltpu.VMEM((CH,), jnp.int32),
            pltpu.VMEM((CH,), jnp.int32),
            pltpu.VMEM((CH,), jnp.int32),
            pltpu.SemaphoreType.DMA,
            pltpu.SemaphoreType.DMA,
        ] + [pltpu.VMEM((G, D), jnp.float32)] * NB
          + [pltpu.SemaphoreType.DMA] * (2 * NB),
        compiler_params=pltpu.CompilerParams(needs_layout_passes=False),
    )(key_flat, edge_index[0], h_ext)

    BN = 400
    out = pl.pallas_call(
        _mlp2_body,
        grid=(N // BN,),
        in_specs=[
            pl.BlockSpec((BN * C, D), lambda i: (i, 0)),
            pl.BlockSpec((BN, D), lambda i: (i, 0)),
            pl.BlockSpec((C * D, H2), lambda i: (0, 0)),
            pl.BlockSpec((D, H2), lambda i: (C, 0)),
            pl.BlockSpec((1, H2), lambda i: (0, 0)),
            pl.BlockSpec((H2, D), lambda i: (0, 0)),
            pl.BlockSpec((1, D), lambda i: (0, 0)),
        ],
        out_specs=pl.BlockSpec((BN, D), lambda i: (i, 0)),
        out_shape=jax.ShapeDtypeStruct((N, D), jnp.float32),
    )(slots2d, x, m2w1, m2w1, m2b1.reshape(1, H2), m2w2, m2b2.reshape(1, D))

    return out

# --- scband reference (transcript-rebuilt; emitter-appended) ---
"""Pipeline reference for scband-lgc-45191645889206 (READ-ONLY COPY).

The authoritative reference and input builder live on the scoring server;
editing this copy changes nothing except your own understanding.
"""

import jax, jax.numpy as jnp
import numpy as np

N = 10000
E = 320000
D = 128
C = 32
DE = 16
H1 = 128
H2 = 128


def setup_inputs(seed: int = 0) -> dict:
    key = jax.random.key(seed)
    ks = jax.random.split(key, 16)
    x = jax.random.normal(ks[0], (N, D), dtype=jnp.float32)
    edge_index = jax.random.randint(ks[1], (2, E), 0, N, dtype=jnp.int32)
    edge_slot = jax.random.randint(ks[2], (E,), 0, C, dtype=jnp.int32)
    edge_attr = jax.random.normal(ks[3], (E, DE), dtype=jnp.float32)
    u = jax.random.normal(ks[4], (1, D), dtype=jnp.float32)
    batch = jnp.zeros((N,), dtype=jnp.int32)
    # node_mlp_1: Linear(D, H1) -> ReLU -> Linear(H1, D)
    m1w1 = jax.random.normal(ks[5], (D, H1), dtype=jnp.float32) * (1.0 / np.sqrt(D))
    m1b1 = jnp.zeros((H1,), dtype=jnp.float32)
    m1w2 = jax.random.normal(ks[6], (H1, D), dtype=jnp.float32) * (1.0 / np.sqrt(H1))
    m1b2 = jnp.zeros((D,), dtype=jnp.float32)
    # node_mlp: Linear((C+1)*D, H2) -> ReLU -> Linear(H2, D)
    m2w1 = jax.random.normal(ks[7], ((C + 1) * D, H2), dtype=jnp.float32) * (1.0 / np.sqrt((C + 1) * D))
    m2b1 = jnp.zeros((H2,), dtype=jnp.float32)
    m2w2 = jax.random.normal(ks[8], (H2, D), dtype=jnp.float32) * (1.0 / np.sqrt(H2))
    m2b2 = jnp.zeros((D,), dtype=jnp.float32)
    return {
        "x": x, "edge_index": edge_index, "edge_slot": edge_slot,
        "edge_attr": edge_attr, "u": u, "batch": batch,
        "m1w1": m1w1, "m1b1": m1b1, "m1w2": m1w2, "m1b2": m1b2,
        "m2w1": m2w1, "m2b1": m2b1, "m2w2": m2w2, "m2b2": m2b2,
    }


def reference(x, edge_index, edge_slot, edge_attr, u, batch,
              m1w1, m1b1, m1w2, m1b2, m2w1, m2b1, m2w2, m2b2):
    n = x.shape[0]
    row = edge_index[0]
    col = edge_index[1]
    # node_mlp_1 on gathered source-node features x[row]
    h = x[row] @ m1w1 + m1b1
    h = jnp.maximum(h, 0.0)
    h = h @ m1w2 + m1b2
    # scatter_slots: out[col[e], edge_slot[e], :] = h[e]
    slots = jnp.zeros((n, C, D), dtype=x.dtype).at[col, edge_slot].set(h)
    out = jnp.concatenate([slots.reshape(n, C * D), x], axis=1)
    # node_mlp
    out = out @ m2w1 + m2b1
    out = jnp.maximum(out, 0.0)
    out = out @ m2w2 + m2b2
    return out

if __name__ == "__main__":
    import jax
    _d = setup_inputs()
    print(jax.jit(kernel)(*tuple(_d.values())))

</pallas_src>

<mosaic_0001>
#map = affine_map<(d0, d1) -> (0)>
#map1 = affine_map<(d0, d1) -> (0, 0)>
module attributes {stable_mosaic.version = 14 : i64} {
  func.func @_sc_body(%arg0: i32, %arg1: i32, %arg2: memref<320000xi32, #tpu.memory_space<hbm>>, %arg3: memref<320000xi32, #tpu.memory_space<hbm>>, %arg4: memref<12800x128xf32, #tpu.memory_space<hbm>>, %arg5: memref<320000x128xf32, #tpu.memory_space<hbm>>, %arg6: memref<10000xi32, #tpu.memory_space<vmem>>, %arg7: memref<8000xi32, #tpu.memory_space<vmem>>, %arg8: memref<8000xi32, #tpu.memory_space<vmem>>, %arg9: memref<8000xi32, #tpu.memory_space<vmem>>, %arg10: memref<8000xi32, #tpu.memory_space<vmem>>, %arg11: memref<!tpu.dma_semaphore, #tpu.memory_space<semaphore_mem>>, %arg12: memref<!tpu.dma_semaphore, #tpu.memory_space<semaphore_mem>>, %arg13: memref<80x128xf32, #tpu.memory_space<vmem>>, %arg14: memref<80x128xf32, #tpu.memory_space<vmem>>, %arg15: memref<80x128xf32, #tpu.memory_space<vmem>>, %arg16: memref<80x128xf32, #tpu.memory_space<vmem>>, %arg17: memref<80x128xf32, #tpu.memory_space<vmem>>, %arg18: memref<!tpu.dma_semaphore, #tpu.memory_space<semaphore_mem>>, %arg19: memref<!tpu.dma_semaphore, #tpu.memory_space<semaphore_mem>>, %arg20: memref<!tpu.dma_semaphore, #tpu.memory_space<semaphore_mem>>, %arg21: memref<!tpu.dma_semaphore, #tpu.memory_space<semaphore_mem>>, %arg22: memref<!tpu.dma_semaphore, #tpu.memory_space<semaphore_mem>>, %arg23: memref<!tpu.dma_semaphore, #tpu.memory_space<semaphore_mem>>, %arg24: memref<!tpu.dma_semaphore, #tpu.memory_space<semaphore_mem>>, %arg25: memref<!tpu.dma_semaphore, #tpu.memory_space<semaphore_mem>>, %arg26: memref<!tpu.dma_semaphore, #tpu.memory_space<semaphore_mem>>, %arg27: memref<!tpu.dma_semaphore, #tpu.memory_space<semaphore_mem>>) attributes {dimension_semantics = [#tpu.dimension_semantics<core_parallel>, #tpu.dimension_semantics<subcore_parallel>], iteration_bounds = array<i64: 2, 16>, scalar_prefetch = 0 : i64, scratch_operands = 22 : i64, tpu.core_type = #tpu.core_type<sc_vector_subcore>, window_params = [{transform_indices = #map}, {transform_indices = #map}, {transform_indices = #map1}, {transform_indices = #map1}]} {
    %mul3A = arith.constant 2 : i32
    %mul3A_0 = arith.muli %arg1, %mul3A : i32
    %add3A = arith.addi %mul3A_0, %arg0 : i32
    %mul3A_1 = arith.constant 10000 : i32
    %mul3A_2 = arith.muli %add3A, %mul3A_1 : i32
    %iota3A = tpu.iota {dimensions = array<i32: 0>} : vector<16xi32>
    %scan3A = arith.constant 0 : i32
    %scan3A_3 = arith.constant 0 : i32
    %scan3A_4 = arith.constant 625 : i32
    %scan3A_5 = arith.addi %scan3A_3, %scan3A_4 : i32
    %scan3A_6 = arith.constant 1 : i32
    %scan3A_7 = scf.for %scan3A_56 = %scan3A_3 to %scan3A_5 step %scan3A_6 iter_args(%scan3A_57 = %scan3A) -> (i32)  : i32 {
      %mul3A_58 = arith.constant 16 : i32
      %mul3A_59 = arith.muli %scan3A_56, %mul3A_58 : i32
      %add3A_60 = vector.broadcast %mul3A_59 : i32 to vector<16xi32>
      %add3A_61 = arith.addi %add3A_60, %iota3A : vector<16xi32>
      %and3A = arith.constant 2047 : i32
      %and3A_62 = vector.broadcast %and3A : i32 to vector<16xi32>
      %and3A_63 = arith.andi %add3A_61, %and3A_62 : vector<16xi32>
      %add3A_64 = arith.constant 10000 : i32
      %add3A_65 = vector.broadcast %add3A_64 : i32 to vector<16xi32>
      %add3A_66 = arith.addi %add3A_65, %and3A_63 : vector<16xi32>
      %mul3A_67 = arith.constant 16 : i32
      %mul3A_68 = arith.muli %scan3A_56, %mul3A_67 : i32
      %swap3A = arith.index_cast %mul3A_68 : i32 to index
      %swap3A_69 = tpu.vector_load %arg6[%swap3A] {strides = array<i32>} : memref<10000xi32, #tpu.memory_space<vmem>>, vector<16xi32>,
      tpu.vector_store %arg6[%swap3A], %add3A_66 {strides = array<i32>} : memref<10000xi32, #tpu.memory_space<vmem>>, vector<16xi32>,
      %scan3A_70 = arith.constant 0 : i32
      scf.yield %scan3A_70 : i32
    }
    %scan3A_8 = arith.constant 625 : i32
    %dma_start3A = arith.constant 0 : i32
    %dma_start3A_9 = tpu.memref_slice %arg2[%dma_start3A] : memref<320000xi32, #tpu.memory_space<hbm>> -> memref<8000xi32, #tpu.memory_space<hbm>>
    %dma_start3A_10 = arith.constant 0 : i32
    %dma_start3A_11 = tpu.memref_slice %arg2[%dma_start3A_10] : memref<320000xi32, #tpu.memory_space<hbm>> -> memref<8000xi32, #tpu.memory_space<hbm>>
    tpu.enqueue_dma source(%dma_start3A_11 : memref<8000xi32, #tpu.memory_space<hbm>>) target(%arg7 : memref<8000xi32, #tpu.memory_space<vmem>>) target_semaphore(%arg11 : memref<!tpu.dma_semaphore, #tpu.memory_space<semaphore_mem>>)
    %dma_start3A_12 = arith.constant 0 : i32
    %dma_start3A_13 = tpu.memref_slice %arg3[%dma_start3A_12] : memref<320000xi32, #tpu.memory_space<hbm>> -> memref<8000xi32, #tpu.memory_space<hbm>>
    %dma_start3A_14 = arith.constant 0 : i32
    %dma_start3A_15 = tpu.memref_slice %arg3[%dma_start3A_14] : memref<320000xi32, #tpu.memory_space<hbm>> -> memref<8000xi32, #tpu.memory_space<hbm>>
    tpu.enqueue_dma source(%dma_start3A_15 : memref<8000xi32, #tpu.memory_space<hbm>>) target(%arg9 : memref<8000xi32, #tpu.memory_space<vmem>>) target_semaphore(%arg11 : memref<!tpu.dma_semaphore, #tpu.memory_space<semaphore_mem>>)
    %scan3A_16 = arith.constant 0 : i32
    %scan3A_17 = arith.constant 0 : i32
    %scan3A_18 = arith.constant 20 : i32
    %scan3A_19 = arith.addi %scan3A_17, %scan3A_18 : i32
    %scan3A_20 = arith.constant 1 : i32
    %scan3A_21 = scf.for %scan3A_56 = %scan3A_17 to %scan3A_19 step %scan3A_20 iter_args(%scan3A_57 = %scan3A_16) -> (i32)  : i32 {
      %mul3A_58 = arith.constant 2 : i32
      %mul3A_59 = arith.muli %mul3A_58, %scan3A_56 : i32
      %add3A_60 = arith.constant 0 : i32
      %add3A_61 = arith.addi %mul3A_59, %add3A_60 : i32
      %add3A_62 = arith.constant 1 : i32
      %add3A_63 = arith.addi %add3A_61, %add3A_62 : i32
      %lt3A = arith.constant 40 : i32
      %lt3A_64 = arith.cmpi slt, %add3A_63, %lt3A : i32
      %convert_element_type3A = arith.extui %lt3A_64 : i1 to i32
      %cond3A = arith.constant 0 : i32
      %cond3A_65 = arith.cmpi ne, %convert_element_type3A, %cond3A : i32
      scf.if %cond3A_65 {
        %mul3A_108 = arith.constant 8000 : i32
        %mul3A_109 = arith.muli %add3A_63, %mul3A_108 : i32
        %dma_start3A_110 = tpu.memref_slice %arg2[%mul3A_109] : memref<320000xi32, #tpu.memory_space<hbm>> -> memref<8000xi32, #tpu.memory_space<hbm>>
        %dma_start3A_111 = tpu.memref_slice %arg2[%mul3A_109] : memref<320000xi32, #tpu.memory_space<hbm>> -> memref<8000xi32, #tpu.memory_space<hbm>>
        tpu.enqueue_dma source(%dma_start3A_111 : memref<8000xi32, #tpu.memory_space<hbm>>) target(%arg8 : memref<8000xi32, #tpu.memory_space<vmem>>) target_semaphore(%arg12 : memref<!tpu.dma_semaphore, #tpu.memory_space<semaphore_mem>>)
        %mul3A_112 = arith.constant 8000 : i32
        %mul3A_113 = arith.muli %add3A_63, %mul3A_112 : i32
        %dma_start3A_114 = tpu.memref_slice %arg3[%mul3A_113] : memref<320000xi32, #tpu.memory_space<hbm>> -> memref<8000xi32, #tpu.memory_space<hbm>>
        %dma_start3A_115 = tpu.memref_slice %arg3[%mul3A_113] : memref<320000xi32, #tpu.memory_space<hbm>> -> memref<8000xi32, #tpu.memory_space<hbm>>
        tpu.enqueue_dma source(%dma_start3A_115 : memref<8000xi32, #tpu.memory_space<hbm>>) target(%arg10 : memref<8000xi32, #tpu.memory_space<vmem>>) target_semaphore(%arg12 : memref<!tpu.dma_semaphore, #tpu.memory_space<semaphore_mem>>)
      } else {
      }
      %dma_wait3A_66 = arith.constant 0 : i32
      %dma_wait3A_67 = tpu.memref_slice %arg2[%dma_wait3A_66] : memref<320000xi32, #tpu.memory_space<hbm>> -> memref<8000xi32, #tpu.memory_space<hbm>>
      %dma_wait3A_68 = arith.constant 0 : i32
      %dma_wait3A_69 = tpu.memref_slice %arg2[%dma_wait3A_68] : memref<320000xi32, #tpu.memory_space<hbm>> -> memref<8000xi32, #tpu.memory_space<hbm>>
      tpu.wait_dma2 semaphore(%arg11 : memref<!tpu.dma_semaphore, #tpu.memory_space<semaphore_mem>>) src(%dma_wait3A_69 : memref<8000xi32, #tpu.memory_space<hbm>>) dst(%arg7 : memref<8000xi32, #tpu.memory_space<vmem>>)
      %dma_wait3A_70 = arith.constant 0 : i32
      %dma_wait3A_71 = tpu.memref_slice %arg3[%dma_wait3A_70] : memref<320000xi32, #tpu.memory_space<hbm>> -> memref<8000xi32, #tpu.memory_space<hbm>>
      %dma_wait3A_72 = arith.constant 0 : i32
      %dma_wait3A_73 = tpu.memref_slice %arg3[%dma_wait3A_72] : memref<320000xi32, #tpu.memory_space<hbm>> -> memref<8000xi32, #tpu.memory_space<hbm>>
      tpu.wait_dma2 semaphore(%arg11 : memref<!tpu.dma_semaphore, #tpu.memory_space<semaphore_mem>>) src(%dma_wait3A_73 : memref<8000xi32, #tpu.memory_space<hbm>>) dst(%arg9 : memref<8000xi32, #tpu.memory_space<vmem>>)
      %scan3A_74 = arith.constant 0 : i32
      %scan3A_75 = arith.constant 0 : i32
      %scan3A_76 = arith.constant 50 : i32
      %scan3A_77 = arith.addi %scan3A_75, %scan3A_76 : i32
      %scan3A_78 = arith.constant 1 : i32
      %scan3A_79 = scf.for %scan3A_108 = %scan3A_75 to %scan3A_77 step %scan3A_78 iter_args(%scan3A_109 = %scan3A_74) -> (i32)  : i32 {
        %mul3A_110 = arith.constant 10 : i32
        %mul3A_111 = arith.muli %scan3A_108, %mul3A_110 : i32
        %add3A_112 = arith.constant 0 : i32
        %add3A_113 = arith.addi %mul3A_111, %add3A_112 : i32
        %mul3A_114 = arith.constant 16 : i32
        %mul3A_115 = arith.muli %add3A_113, %mul3A_114 : i32
        %get3A = arith.index_cast %mul3A_115 : i32 to index
        %get3A_116 = tpu.vector_load %arg7[%get3A] {strides = array<i32>} : memref<8000xi32, #tpu.memory_space<vmem>>, vector<16xi32>,
        %get3A_117 = arith.index_cast %mul3A_115 : i32 to index
        %get3A_118 = tpu.vector_load %arg9[%get3A_117] {strides = array<i32>} : memref<8000xi32, #tpu.memory_space<vmem>>, vector<16xi32>,
        %sub3A = vector.broadcast %mul3A_2 : i32 to vector<16xi32>
        %sub3A_119 = arith.subi %get3A_116, %sub3A : vector<16xi32>
        %bitcast3A = vector.bitcast %sub3A_119 : vector<16xi32> to vector<16xi32>
        %lt3A_120 = arith.constant 10000 : i32
        %lt3A_121 = vector.broadcast %lt3A_120 : i32 to vector<16xi32>
        %lt3A_122 = arith.cmpi ult, %bitcast3A, %lt3A_121 : vector<16xi32>
        tpu.vector_store_idx %arg6[%sub3A_119], %get3A_118 masked %lt3A_122 : memref<10000xi32, #tpu.memory_space<vmem>>[vector<16xi32>], vector<16xi32>, vector<16xi1>
        %mul3A_123 = arith.constant 10 : i32
        %mul3A_124 = arith.muli %scan3A_108, %mul3A_123 : i32
        %add3A_125 = arith.constant 1 : i32
        %add3A_126 = arith.addi %mul3A_124, %add3A_125 : i32
        %mul3A_127 = arith.constant 16 : i32
        %mul3A_128 = arith.muli %add3A_126, %mul3A_127 : i32
        %get3A_129 = arith.index_cast %mul3A_128 : i32 to index
        %get3A_130 = tpu.vector_load %arg7[%get3A_129] {strides = array<i32>} : memref<8000xi32, #tpu.memory_space<vmem>>, vector<16xi32>,
        %get3A_131 = arith.index_cast %mul3A_128 : i32 to index
        %get3A_132 = tpu.vector_load %arg9[%get3A_131] {strides = array<i32>} : memref<8000xi32, #tpu.memory_space<vmem>>, vector<16xi32>,
        %sub3A_133 = vector.broadcast %mul3A_2 : i32 to vector<16xi32>
        %sub3A_134 = arith.subi %get3A_130, %sub3A_133 : vector<16xi32>
        %bitcast3A_135 = vector.bitcast %sub3A_134 : vector<16xi32> to vector<16xi32>
        %lt3A_136 = arith.constant 10000 : i32
        %lt3A_137 = vector.broadcast %lt3A_136 : i32 to vector<16xi32>
        %lt3A_138 = arith.cmpi ult, %bitcast3A_135, %lt3A_137 : vector<16xi32>
        tpu.vector_store_idx %arg6[%sub3A_134], %get3A_132 masked %lt3A_138 : memref<10000xi32, #tpu.memory_space<vmem>>[vector<16xi32>], vector<16xi32>, vector<16xi1>
        %mul3A_139 = arith.constant 10 : i32
        %mul3A_140 = arith.muli %scan3A_108, %mul3A_139 : i32
        %add3A_141 = arith.constant 2 : i32
        %add3A_142 = arith.addi %mul3A_140, %add3A_141 : i32
        %mul3A_143 = arith.constant 16 : i32
        %mul3A_144 = arith.muli %add3A_142, %mul3A_143 : i32
        %get3A_145 = arith.index_cast %mul3A_144 : i32 to index
        %get3A_146 = tpu.vector_load %arg7[%get3A_145] {strides = array<i32>} : memref<8000xi32, #tpu.memory_space<vmem>>, vector<16xi32>,
        %get3A_147 = arith.index_cast %mul3A_144 : i32 to index
        %get3A_148 = tpu.vector_load %arg9[%get3A_147] {strides = array<i32>} : memref<8000xi32, #tpu.memory_space<vmem>>, vector<16xi32>,
        %sub3A_149 = vector.broadcast %mul3A_2 : i32 to vector<16xi32>
        %sub3A_150 = arith.subi %get3A_146, %sub3A_149 : vector<16xi32>
        %bitcast3A_151 = vector.bitcast %sub3A_150 : vector<16xi32> to vector<16xi32>
        %lt3A_152 = arith.constant 10000 : i32
        %lt3A_153 = vector.broadcast %lt3A_152 : i32 to vector<16xi32>
        %lt3A_154 = arith.cmpi ult, %bitcast3A_151, %lt3A_153 : vector<16xi32>
        tpu.vector_store_idx %arg6[%sub3A_150], %get3A_148 masked %lt3A_154 : memref<10000xi32, #tpu.memory_space<vmem>>[vector<16xi32>], vector<16xi32>, vector<16xi1>
        %mul3A_155 = arith.constant 10 : i32
        %mul3A_156 = arith.muli %scan3A_108, %mul3A_155 : i32
        %add3A_157 = arith.constant 3 : i32
        %add3A_158 = arith.addi %mul3A_156, %add3A_157 : i32
        %mul3A_159 = arith.constant 16 : i32
        %mul3A_160 = arith.muli %add3A_158, %mul3A_159 : i32
        %get3A_161 = arith.index_cast %mul3A_160 : i32 to index
        %get3A_162 = tpu.vector_load %arg7[%get3A_161] {strides = array<i32>} : memref<8000xi32, #tpu.memory_space<vmem>>, vector<16xi32>,
        %get3A_163 = arith.index_cast %mul3A_160 : i32 to index
        %get3A_164 = tpu.vector_load %arg9[%get3A_163] {strides = array<i32>} : memref<8000xi32, #tpu.memory_space<vmem>>, vector<16xi32>,
        %sub3A_165 = vector.broadcast %mul3A_2 : i32 to vector<16xi32>
        %sub3A_166 = arith.subi %get3A_162, %sub3A_165 : vector<16xi32>
        %bitcast3A_167 = vector.bitcast %sub3A_166 : vector<16xi32> to vector<16xi32>
        %lt3A_168 = arith.constant 10000 : i32
        %lt3A_169 = vector.broadcast %lt3A_168 : i32 to vector<16xi32>
        %lt3A_170 = arith.cmpi ult, %bitcast3A_167, %lt3A_169 : vector<16xi32>
        tpu.vector_store_idx %arg6[%sub3A_166], %get3A_164 masked %lt3A_170 : memref<10000xi32, #tpu.memory_space<vmem>>[vector<16xi32>], vector<16xi32>, vector<16xi1>
        %mul3A_171 = arith.constant 10 : i32
        %mul3A_172 = arith.muli %scan3A_108, %mul3A_171 : i32
        %add3A_173 = arith.constant 4 : i32
        %add3A_174 = arith.addi %mul3A_172, %add3A_173 : i32
        %mul3A_175 = arith.constant 16 : i32
        %mul3A_176 = arith.muli %add3A_174, %mul3A_175 : i32
        %get3A_177 = arith.index_cast %mul3A_176 : i32 to index
        %get3A_178 = tpu.vector_load %arg7[%get3A_177] {strides = array<i32>} : memref<8000xi32, #tpu.memory_space<vmem>>, vector<16xi32>,
        %get3A_179 = arith.index_cast %mul3A_176 : i32 to index
        %get3A_180 = tpu.vector_load %arg9[%get3A_179] {strides = array<i32>} : memref<8000xi32, #tpu.memory_space<vmem>>, vector<16xi32>,
        %sub3A_181 = vector.broadcast %mul3A_2 : i32 to vector<16xi32>
        %sub3A_182 = arith.subi %get3A_178, %sub3A_181 : vector<16xi32>
        %bitcast3A_183 = vector.bitcast %sub3A_182 : vector<16xi32> to vector<16xi32>
        %lt3A_184 = arith.constant 10000 : i32
        %lt3A_185 = vector.broadcast %lt3A_184 : i32 to vector<16xi32>
        %lt3A_186 = arith.cmpi ult, %bitcast3A_183, %lt3A_185 : vector<16xi32>
        tpu.vector_store_idx %arg6[%sub3A_182], %get3A_180 masked %lt3A_186 : memref<10000xi32, #tpu.memory_space<vmem>>[vector<16xi32>], vector<16xi32>, vector<16xi1>
        %mul3A_187 = arith.constant 10 : i32
        %mul3A_188 = arith.muli %scan3A_108, %mul3A_187 : i32
        %add3A_189 = arith.constant 5 : i32
        %add3A_190 = arith.addi %mul3A_188, %add3A_189 : i32
        %mul3A_191 = arith.constant 16 : i32
        %mul3A_192 = arith.muli %add3A_190, %mul3A_191 : i32
        %get3A_193 = arith.index_cast %mul3A_192 : i32 to index
        %get3A_194 = tpu.vector_load %arg7[%get3A_193] {strides = array<i32>} : memref<8000xi32, #tpu.memory_space<vmem>>, vector<16xi32>,
        %get3A_195 = arith.index_cast %mul3A_192 : i32 to index
        %get3A_196 = tpu.vector_load %arg9[%get3A_195] {strides = array<i32>} : memref<8000xi32, #tpu.memory_space<vmem>>, vector<16xi32>,
        %sub3A_197 = vector.broadcast %mul3A_2 : i32 to vector<16xi32>
        %sub3A_198 = arith.subi %get3A_194, %sub3A_197 : vector<16xi32>
        %bitcast3A_199 = vector.bitcast %sub3A_198 : vector<16xi32> to vector<16xi32>
        %lt3A_200 = arith.constant 10000 : i32
        %lt3A_201 = vector.broadcast %lt3A_200 : i32 to vector<16xi32>
        %lt3A_202 = arith.cmpi ult, %bitcast3A_199, %lt3A_201 : vector<16xi32>
        tpu.vector_store_idx %arg6[%sub3A_198], %get3A_196 masked %lt3A_202 : memref<10000xi32, #tpu.memory_space<vmem>>[vector<16xi32>], vector<16xi32>, vector<16xi1>
        %mul3A_203 = arith.constant 10 : i32
        %mul3A_204 = arith.muli %scan3A_108, %mul3A_203 : i32
        %add3A_205 = arith.constant 6 : i32
        %add3A_206 = arith.addi %mul3A_204, %add3A_205 : i32
        %mul3A_207 = arith.constant 16 : i32
        %mul3A_208 = arith.muli %add3A_206, %mul3A_207 : i32
        %get3A_209 = arith.index_cast %mul3A_208 : i32 to index
        %get3A_210 = tpu.vector_load %arg7[%get3A_209] {strides = array<i32>} : memref<8000xi32, #tpu.memory_space<vmem>>, vector<16xi32>,
        %get3A_211 = arith.index_cast %mul3A_208 : i32 to index
        %get3A_212 = tpu.vector_load %arg9[%get3A_211] {strides = array<i32>} : memref<8000xi32, #tpu.memory_space<vmem>>, vector<16xi32>,
        %sub3A_213 = vector.broadcast %mul3A_2 : i32 to vector<16xi32>
        %sub3A_214 = arith.subi %get3A_210, %sub3A_213 : vector<16xi32>
        %bitcast3A_215 = vector.bitcast %sub3A_214 : vector<16xi32> to vector<16xi32>
        %lt3A_216 = arith.constant 10000 : i32
        %lt3A_217 = vector.broadcast %lt3A_216 : i32 to vector<16xi32>
        %lt3A_218 = arith.cmpi ult, %bitcast3A_215, %lt3A_217 : vector<16xi32>
        tpu.vector_store_idx %arg6[%sub3A_214], %get3A_212 masked %lt3A_218 : memref<10000xi32, #tpu.memory_space<vmem>>[vector<16xi32>], vector<16xi32>, vector<16xi1>
        %mul3A_219 = arith.constant 10 : i32
        %mul3A_220 = arith.muli %scan3A_108, %mul3A_219 : i32
        %add3A_221 = arith.constant 7 : i32
        %add3A_222 = arith.addi %mul3A_220, %add3A_221 : i32
        %mul3A_223 = arith.constant 16 : i32
        %mul3A_224 = arith.muli %add3A_222, %mul3A_223 : i32
        %get3A_225 = arith.index_cast %mul3A_224 : i32 to index
        %get3A_226 = tpu.vector_load %arg7[%get3A_225] {strides = array<i32>} : memref<8000xi32, #tpu.memory_space<vmem>>, vector<16xi32>,
        %get3A_227 = arith.index_cast %mul3A_224 : i32 to index
        %get3A_228 = tpu.vector_load %arg9[%get3A_227] {strides = array<i32>} : memref<8000xi32, #tpu.memory_space<vmem>>, vector<16xi32>,
        %sub3A_229 = vector.broadcast %mul3A_2 : i32 to vector<16xi32>
        %sub3A_230 = arith.subi %get3A_226, %sub3A_229 : vector<16xi32>
        %bitcast3A_231 = vector.bitcast %sub3A_230 : vector<16xi32> to vector<16xi32>
        %lt3A_232 = arith.constant 10000 : i32
        %lt3A_233 = vector.broadcast %lt3A_232 : i32 to vector<16xi32>
        %lt3A_234 = arith.cmpi ult, %bitcast3A_231, %lt3A_233 : vector<16xi32>
        tpu.vector_store_idx %arg6[%sub3A_230], %get3A_228 masked %lt3A_234 : memref<10000xi32, #tpu.memory_space<vmem>>[vector<16xi32>], vector<16xi32>, vector<16xi1>
        %mul3A_235 = arith.constant 10 : i32
        %mul3A_236 = arith.muli %scan3A_108, %mul3A_235 : i32
        %add3A_237 = arith.constant 8 : i32
        %add3A_238 = arith.addi %mul3A_236, %add3A_237 : i32
        %mul3A_239 = arith.constant 16 : i32
        %mul3A_240 = arith.muli %add3A_238, %mul3A_239 : i32
        %get3A_241 = arith.index_cast %mul3A_240 : i32 to index
        %get3A_242 = tpu.vector_load %arg7[%get3A_241] {strides = array<i32>} : memref<8000xi32, #tpu.memory_space<vmem>>, vector<16xi32>,
        %get3A_243 = arith.index_cast %mul3A_240 : i32 to index
        %get3A_244 = tpu.vector_load %arg9[%get3A_243] {strides = array<i32>} : memref<8000xi32, #tpu.memory_space<vmem>>, vector<16xi32>,
        %sub3A_245 = vector.broadcast %mul3A_2 : i32 to vector<16xi32>
        %sub3A_246 = arith.subi %get3A_242, %sub3A_245 : vector<16xi32>
        %bitcast3A_247 = vector.bitcast %sub3A_246 : vector<16xi32> to vector<16xi32>
        %lt3A_248 = arith.constant 10000 : i32
        %lt3A_249 = vector.broadcast %lt3A_248 : i32 to vector<16xi32>
        %lt3A_250 = arith.cmpi ult, %bitcast3A_247, %lt3A_249 : vector<16xi32>
        tpu.vector_store_idx %arg6[%sub3A_246], %get3A_244 masked %lt3A_250 : memref<10000xi32, #tpu.memory_space<vmem>>[vector<16xi32>], vector<16xi32>, vector<16xi1>
        %mul3A_251 = arith.constant 10 : i32
        %mul3A_252 = arith.muli %scan3A_108, %mul3A_251 : i32
        %add3A_253 = arith.constant 9 : i32
        %add3A_254 = arith.addi %mul3A_252, %add3A_253 : i32
        %mul3A_255 = arith.constant 16 : i32
        %mul3A_256 = arith.muli %add3A_254, %mul3A_255 : i32
        %get3A_257 = arith.index_cast %mul3A_256 : i32 to index
        %get3A_258 = tpu.vector_load %arg7[%get3A_257] {strides = array<i32>} : memref<8000xi32, #tpu.memory_space<vmem>>, vector<16xi32>,
        %get3A_259 = arith.index_cast %mul3A_256 : i32 to index
        %get3A_260 = tpu.vector_load %arg9[%get3A_259] {strides = array<i32>} : memref<8000xi32, #tpu.memory_space<vmem>>, vector<16xi32>,
        %sub3A_261 = vector.broadcast %mul3A_2 : i32 to vector<16xi32>
        %sub3A_262 = arith.subi %get3A_258, %sub3A_261 : vector<16xi32>
        %bitcast3A_263 = vector.bitcast %sub3A_262 : vector<16xi32> to vector<16xi32>
        %lt3A_264 = arith.constant 10000 : i32
        %lt3A_265 = vector.broadcast %lt3A_264 : i32 to vector<16xi32>
        %lt3A_266 = arith.cmpi ult, %bitcast3A_263, %lt3A_265 : vector<16xi32>
        tpu.vector_store_idx %arg6[%sub3A_262], %get3A_260 masked %lt3A_266 : memref<10000xi32, #tpu.memory_space<vmem>>[vector<16xi32>], vector<16xi32>, vector<16xi1>
        %scan3A_267 = arith.constant 0 : i32
        scf.yield %scan3A_267 : i32
      }
      %scan3A_80 = arith.constant 50 : i32
      %mul3A_81 = arith.constant 2 : i32
      %mul3A_82 = arith.muli %mul3A_81, %scan3A_56 : i32
      %add3A_83 = arith.constant 1 : i32
      %add3A_84 = arith.addi %mul3A_82, %add3A_83 : i32
      %add3A_85 = arith.constant 1 : i32
      %add3A_86 = arith.addi %add3A_84, %add3A_85 : i32
      %lt3A_87 = arith.constant 40 : i32
      %lt3A_88 = arith.cmpi slt, %add3A_86, %lt3A_87 : i32
      %convert_element_type3A_89 = arith.extui %lt3A_88 : i1 to i32
      %cond3A_90 = arith.constant 0 : i32
      %cond3A_91 = arith.cmpi ne, %convert_element_type3A_89, %cond3A_90 : i32
      scf.if %cond3A_91 {
        %mul3A_108 = arith.constant 8000 : i32
        %mul3A_109 = arith.muli %add3A_86, %mul3A_108 : i32
        %dma_start3A_110 = tpu.memref_slice %arg2[%mul3A_109] : memref<320000xi32, #tpu.memory_space<hbm>> -> memref<8000xi32, #tpu.memory_space<hbm>>
        %dma_start3A_111 = tpu.memref_slice %arg2[%mul3A_109] : memref<320000xi32, #tpu.memory_space<hbm>> -> memref<8000xi32, #tpu.memory_space<hbm>>
        tpu.enqueue_dma source(%dma_start3A_111 : memref<8000xi32, #tpu.memory_space<hbm>>) target(%arg7 : memref<8000xi32, #tpu.memory_space<vmem>>) target_semaphore(%arg11 : memref<!tpu.dma_semaphore, #tpu.memory_space<semaphore_mem>>)
        %mul3A_112 = arith.constant 8000 : i32
        %mul3A_113 = arith.muli %add3A_86, %mul3A_112 : i32
        %dma_start3A_114 = tpu.memref_slice %arg3[%mul3A_113] : memref<320000xi32, #tpu.memory_space<hbm>> -> memref<8000xi32, #tpu.memory_space<hbm>>
        %dma_start3A_115 = tpu.memref_slice %arg3[%mul3A_113] : memref<320000xi32, #tpu.memory_space<hbm>> -> memref<8000xi32, #tpu.memory_space<hbm>>
        tpu.enqueue_dma source(%dma_start3A_115 : memref<8000xi32, #tpu.memory_space<hbm>>) target(%arg9 : memref<8000xi32, #tpu.memory_space<vmem>>) target_semaphore(%arg11 : memref<!tpu.dma_semaphore, #tpu.memory_space<semaphore_mem>>)
      } else {
      }
      %dma_wait3A_92 = arith.constant 0 : i32
      %dma_wait3A_93 = tpu.memref_slice %arg2[%dma_wait3A_92] : memref<320000xi32, #tpu.memory_space<hbm>> -> memref<8000xi32, #tpu.memory_space<hbm>>
      %dma_wait3A_94 = arith.constant 0 : i32
      %dma_wait3A_95 = tpu.memref_slice %arg2[%dma_wait3A_94] : memref<320000xi32, #tpu.memory_space<hbm>> -> memref<8000xi32, #tpu.memory_space<hbm>>
      tpu.wait_dma2 semaphore(%arg12 : memref<!tpu.dma_semaphore, #tpu.memory_space<semaphore_mem>>) src(%dma_wait3A_95 : memref<8000xi32, #tpu.memory_space<hbm>>) dst(%arg8 : memref<8000xi32, #tpu.memory_space<vmem>>)
      %dma_wait3A_96 = arith.constant 0 : i32
      %dma_wait3A_97 = tpu.memref_slice %arg3[%dma_wait3A_96] : memref<320000xi32, #tpu.memory_space<hbm>> -> memref<8000xi32, #tpu.memory_space<hbm>>
      %dma_wait3A_98 = arith.constant 0 : i32
      %dma_wait3A_99 = tpu.memref_slice %arg3[%dma_wait3A_98] : memref<320000xi32, #tpu.memory_space<hbm>> -> memref<8000xi32, #tpu.memory_space<hbm>>
      tpu.wait_dma2 semaphore(%arg12 : memref<!tpu.dma_semaphore, #tpu.memory_space<semaphore_mem>>) src(%dma_wait3A_99 : memref<8000xi32, #tpu.memory_space<hbm>>) dst(%arg10 : memref<8000xi32, #tpu.memory_space<vmem>>)
      %scan3A_100 = arith.constant 0 : i32
      %scan3A_101 = arith.constant 0 : i32
      %scan3A_102 = arith.constant 50 : i32
      %scan3A_103 = arith.addi %scan3A_101, %scan3A_102 : i32
      %scan3A_104 = arith.constant 1 : i32
      %scan3A_105 = scf.for %scan3A_108 = %scan3A_101 to %scan3A_103 step %scan3A_104 iter_args(%scan3A_109 = %scan3A_100) -> (i32)  : i32 {
        %mul3A_110 = arith.constant 10 : i32
        %mul3A_111 = arith.muli %scan3A_108, %mul3A_110 : i32
        %add3A_112 = arith.constant 0 : i32
        %add3A_113 = arith.addi %mul3A_111, %add3A_112 : i32
        %mul3A_114 = arith.constant 16 : i32
        %mul3A_115 = arith.muli %add3A_113, %mul3A_114 : i32
        %get3A = arith.index_cast %mul3A_115 : i32 to index
        %get3A_116 = tpu.vector_load %arg8[%get3A] {strides = array<i32>} : memref<8000xi32, #tpu.memory_space<vmem>>, vector<16xi32>,
        %get3A_117 = arith.index_cast %mul3A_115 : i32 to index
        %get3A_118 = tpu.vector_load %arg10[%get3A_117] {strides = array<i32>} : memref<8000xi32, #tpu.memory_space<vmem>>, vector<16xi32>,
        %sub3A = vector.broadcast %mul3A_2 : i32 to vector<16xi32>
        %sub3A_119 = arith.subi %get3A_116, %sub3A : vector<16xi32>
        %bitcast3A = vector.bitcast %sub3A_119 : vector<16xi32> to vector<16xi32>
        %lt3A_120 = arith.constant 10000 : i32
        %lt3A_121 = vector.broadcast %lt3A_120 : i32 to vector<16xi32>
        %lt3A_122 = arith.cmpi ult, %bitcast3A, %lt3A_121 : vector<16xi32>
        tpu.vector_store_idx %arg6[%sub3A_119], %get3A_118 masked %lt3A_122 : memref<10000xi32, #tpu.memory_space<vmem>>[vector<16xi32>], vector<16xi32>, vector<16xi1>
        %mul3A_123 = arith.constant 10 : i32
        %mul3A_124 = arith.muli %scan3A_108, %mul3A_123 : i32
        %add3A_125 = arith.constant 1 : i32
        %add3A_126 = arith.addi %mul3A_124, %add3A_125 : i32
        %mul3A_127 = arith.constant 16 : i32
        %mul3A_128 = arith.muli %add3A_126, %mul3A_127 : i32
        %get3A_129 = arith.index_cast %mul3A_128 : i32 to index
        %get3A_130 = tpu.vector_load %arg8[%get3A_129] {strides = array<i32>} : memref<8000xi32, #tpu.memory_space<vmem>>, vector<16xi32>,
        %get3A_131 = arith.index_cast %mul3A_128 : i32 to index
        %get3A_132 = tpu.vector_load %arg10[%get3A_131] {strides = array<i32>} : memref<8000xi32, #tpu.memory_space<vmem>>, vector<16xi32>,
        %sub3A_133 = vector.broadcast %mul3A_2 : i32 to vector<16xi32>
        %sub3A_134 = arith.subi %get3A_130, %sub3A_133 : vector<16xi32>
        %bitcast3A_135 = vector.bitcast %sub3A_134 : vector<16xi32> to vector<16xi32>
        %lt3A_136 = arith.constant 10000 : i32
        %lt3A_137 = vector.broadcast %lt3A_136 : i32 to vector<16xi32>
        %lt3A_138 = arith.cmpi ult, %bitcast3A_135, %lt3A_137 : vector<16xi32>
        tpu.vector_store_idx %arg6[%sub3A_134], %get3A_132 masked %lt3A_138 : memref<10000xi32, #tpu.memory_space<vmem>>[vector<16xi32>], vector<16xi32>, vector<16xi1>
        %mul3A_139 = arith.constant 10 : i32
        %mul3A_140 = arith.muli %scan3A_108, %mul3A_139 : i32
        %add3A_141 = arith.constant 2 : i32
        %add3A_142 = arith.addi %mul3A_140, %add3A_141 : i32
        %mul3A_143 = arith.constant 16 : i32
        %mul3A_144 = arith.muli %add3A_142, %mul3A_143 : i32
        %get3A_145 = arith.index_cast %mul3A_144 : i32 to index
        %get3A_146 = tpu.vector_load %arg8[%get3A_145] {strides = array<i32>} : memref<8000xi32, #tpu.memory_space<vmem>>, vector<16xi32>,
        %get3A_147 = arith.index_cast %mul3A_144 : i32 to index
        %get3A_148 = tpu.vector_load %arg10[%get3A_147] {strides = array<i32>} : memref<8000xi32, #tpu.memory_space<vmem>>, vector<16xi32>,
        %sub3A_149 = vector.broadcast %mul3A_2 : i32 to vector<16xi32>
        %sub3A_150 = arith.subi %get3A_146, %sub3A_149 : vector<16xi32>
        %bitcast3A_151 = vector.bitcast %sub3A_150 : vector<16xi32> to vector<16xi32>
        %lt3A_152 = arith.constant 10000 : i32
        %lt3A_153 = vector.broadcast %lt3A_152 : i32 to vector<16xi32>
        %lt3A_154 = arith.cmpi ult, %bitcast3A_151, %lt3A_153 : vector<16xi32>
        tpu.vector_store_idx %arg6[%sub3A_150], %get3A_148 masked %lt3A_154 : memref<10000xi32, #tpu.memory_space<vmem>>[vector<16xi32>], vector<16xi32>, vector<16xi1>
        %mul3A_155 = arith.constant 10 : i32
        %mul3A_156 = arith.muli %scan3A_108, %mul3A_155 : i32
        %add3A_157 = arith.constant 3 : i32
        %add3A_158 = arith.addi %mul3A_156, %add3A_157 : i32
        %mul3A_159 = arith.constant 16 : i32
        %mul3A_160 = arith.muli %add3A_158, %mul3A_159 : i32
        %get3A_161 = arith.index_cast %mul3A_160 : i32 to index
        %get3A_162 = tpu.vector_load %arg8[%get3A_161] {strides = array<i32>} : memref<8000xi32, #tpu.memory_space<vmem>>, vector<16xi32>,
        %get3A_163 = arith.index_cast %mul3A_160 : i32 to index
        %get3A_164 = tpu.vector_load %arg10[%get3A_163] {strides = array<i32>} : memref<8000xi32, #tpu.memory_space<vmem>>, vector<16xi32>,
        %sub3A_165 = vector.broadcast %mul3A_2 : i32 to vector<16xi32>
        %sub3A_166 = arith.subi %get3A_162, %sub3A_165 : vector<16xi32>
        %bitcast3A_167 = vector.bitcast %sub3A_166 : vector<16xi32> to vector<16xi32>
        %lt3A_168 = arith.constant 10000 : i32
        %lt3A_169 = vector.broadcast %lt3A_168 : i32 to vector<16xi32>
        %lt3A_170 = arith.cmpi ult, %bitcast3A_167, %lt3A_169 : vector<16xi32>
        tpu.vector_store_idx %arg6[%sub3A_166], %get3A_164 masked %lt3A_170 : memref<10000xi32, #tpu.memory_space<vmem>>[vector<16xi32>], vector<16xi32>, vector<16xi1>
        %mul3A_171 = arith.constant 10 : i32
        %mul3A_172 = arith.muli %scan3A_108, %mul3A_171 : i32
        %add3A_173 = arith.constant 4 : i32
        %add3A_174 = arith.addi %mul3A_172, %add3A_173 : i32
        %mul3A_175 = arith.constant 16 : i32
        %mul3A_176 = arith.muli %add3A_174, %mul3A_175 : i32
        %get3A_177 = arith.index_cast %mul3A_176 : i32 to index
        %get3A_178 = tpu.vector_load %arg8[%get3A_177] {strides = array<i32>} : memref<8000xi32, #tpu.memory_space<vmem>>, vector<16xi32>,
        %get3A_179 = arith.index_cast %mul3A_176 : i32 to index
        %get3A_180 = tpu.vector_load %arg10[%get3A_179] {strides = array<i32>} : memref<8000xi32, #tpu.memory_space<vmem>>, vector<16xi32>,
        %sub3A_181 = vector.broadcast %mul3A_2 : i32 to vector<16xi32>
        %sub3A_182 = arith.subi %get3A_178, %sub3A_181 : vector<16xi32>
        %bitcast3A_183 = vector.bitcast %sub3A_182 : vector<16xi32> to vector<16xi32>
        %lt3A_184 = arith.constant 10000 : i32
        %lt3A_185 = vector.broadcast %lt3A_184 : i32 to vector<16xi32>
        %lt3A_186 = arith.cmpi ult, %bitcast3A_183, %lt3A_185 : vector<16xi32>
        tpu.vector_store_idx %arg6[%sub3A_182], %get3A_180 masked %lt3A_186 : memref<10000xi32, #tpu.memory_space<vmem>>[vector<16xi32>], vector<16xi32>, vector<16xi1>
        %mul3A_187 = arith.constant 10 : i32
        %mul3A_188 = arith.muli %scan3A_108, %mul3A_187 : i32
        %add3A_189 = arith.constant 5 : i32
        %add3A_190 = arith.addi %mul3A_188, %add3A_189 : i32
        %mul3A_191 = arith.constant 16 : i32
        %mul3A_192 = arith.muli %add3A_190, %mul3A_191 : i32
        %get3A_193 = arith.index_cast %mul3A_192 : i32 to index
        %get3A_194 = tpu.vector_load %arg8[%get3A_193] {strides = array<i32>} : memref<8000xi32, #tpu.memory_space<vmem>>, vector<16xi32>,
        %get3A_195 = arith.index_cast %mul3A_192 : i32 to index
        %get3A_196 = tpu.vector_load %arg10[%get3A_195] {strides = array<i32>} : memref<8000xi32, #tpu.memory_space<vmem>>, vector<16xi32>,
        %sub3A_197 = vector.broadcast %mul3A_2 : i32 to vector<16xi32>
        %sub3A_198 = arith.subi %get3A_194, %sub3A_197 : vector<16xi32>
        %bitcast3A_199 = vector.bitcast %sub3A_198 : vector<16xi32> to vector<16xi32>
        %lt3A_200 = arith.constant 10000 : i32
        %lt3A_201 = vector.broadcast %lt3A_200 : i32 to vector<16xi32>
        %lt3A_202 = arith.cmpi ult, %bitcast3A_199, %lt3A_201 : vector<16xi32>
        tpu.vector_store_idx %arg6[%sub3A_198], %get3A_196 masked %lt3A_202 : memref<10000xi32, #tpu.memory_space<vmem>>[vector<16xi32>], vector<16xi32>, vector<16xi1>
        %mul3A_203 = arith.constant 10 : i32
        %mul3A_204 = arith.muli %scan3A_108, %mul3A_203 : i32
        %add3A_205 = arith.constant 6 : i32
        %add3A_206 = arith.addi %mul3A_204, %add3A_205 : i32
        %mul3A_207 = arith.constant 16 : i32
        %mul3A_208 = arith.muli %add3A_206, %mul3A_207 : i32
        %get3A_209 = arith.index_cast %mul3A_208 : i32 to index
        %get3A_210 = tpu.vector_load %arg8[%get3A_209] {strides = array<i32>} : memref<8000xi32, #tpu.memory_space<vmem>>, vector<16xi32>,
        %get3A_211 = arith.index_cast %mul3A_208 : i32 to index
        %get3A_212 = tpu.vector_load %arg10[%get3A_211] {strides = array<i32>} : memref<8000xi32, #tpu.memory_space<vmem>>, vector<16xi32>,
        %sub3A_213 = vector.broadcast %mul3A_2 : i32 to vector<16xi32>
        %sub3A_214 = arith.subi %get3A_210, %sub3A_213 : vector<16xi32>
        %bitcast3A_215 = vector.bitcast %sub3A_214 : vector<16xi32> to vector<16xi32>
        %lt3A_216 = arith.constant 10000 : i32
        %lt3A_217 = vector.broadcast %lt3A_216 : i32 to vector<16xi32>
        %lt3A_218 = arith.cmpi ult, %bitcast3A_215, %lt3A_217 : vector<16xi32>
        tpu.vector_store_idx %arg6[%sub3A_214], %get3A_212 masked %lt3A_218 : memref<10000xi32, #tpu.memory_space<vmem>>[vector<16xi32>], vector<16xi32>, vector<16xi1>
        %mul3A_219 = arith.constant 10 : i32
        %mul3A_220 = arith.muli %scan3A_108, %mul3A_219 : i32
        %add3A_221 = arith.constant 7 : i32
        %add3A_222 = arith.addi %mul3A_220, %add3A_221 : i32
        %mul3A_223 = arith.constant 16 : i32
        %mul3A_224 = arith.muli %add3A_222, %mul3A_223 : i32
        %get3A_225 = arith.index_cast %mul3A_224 : i32 to index
        %get3A_226 = tpu.vector_load %arg8[%get3A_225] {strides = array<i32>} : memref<8000xi32, #tpu.memory_space<vmem>>, vector<16xi32>,
        %get3A_227 = arith.index_cast %mul3A_224 : i32 to index
        %get3A_228 = tpu.vector_load %arg10[%get3A_227] {strides = array<i32>} : memref<8000xi32, #tpu.memory_space<vmem>>, vector<16xi32>,
        %sub3A_229 = vector.broadcast %mul3A_2 : i32 to vector<16xi32>
        %sub3A_230 = arith.subi %get3A_226, %sub3A_229 : vector<16xi32>
        %bitcast3A_231 = vector.bitcast %sub3A_230 : vector<16xi32> to vector<16xi32>
        %lt3A_232 = arith.constant 10000 : i32
        %lt3A_233 = vector.broadcast %lt3A_232 : i32 to vector<16xi32>
        %lt3A_234 = arith.cmpi ult, %bitcast3A_231, %lt3A_233 : vector<16xi32>
        tpu.vector_store_idx %arg6[%sub3A_230], %get3A_228 masked %lt3A_234 : memref<10000xi32, #tpu.memory_space<vmem>>[vector<16xi32>], vector<16xi32>, vector<16xi1>
        %mul3A_235 = arith.constant 10 : i32
        %mul3A_236 = arith.muli %scan3A_108, %mul3A_235 : i32
        %add3A_237 = arith.constant 8 : i32
        %add3A_238 = arith.addi %mul3A_236, %add3A_237 : i32
        %mul3A_239 = arith.constant 16 : i32
        %mul3A_240 = arith.muli %add3A_238, %mul3A_239 : i32
        %get3A_241 = arith.index_cast %mul3A_240 : i32 to index
        %get3A_242 = tpu.vector_load %arg8[%get3A_241] {strides = array<i32>} : memref<8000xi32, #tpu.memory_space<vmem>>, vector<16xi32>,
        %get3A_243 = arith.index_cast %mul3A_240 : i32 to index
        %get3A_244 = tpu.vector_load %arg10[%get3A_243] {strides = array<i32>} : memref<8000xi32, #tpu.memory_space<vmem>>, vector<16xi32>,
        %sub3A_245 = vector.broadcast %mul3A_2 : i32 to vector<16xi32>
        %sub3A_246 = arith.subi %get3A_242, %sub3A_245 : vector<16xi32>
        %bitcast3A_247 = vector.bitcast %sub3A_246 : vector<16xi32> to vector<16xi32>
        %lt3A_248 = arith.constant 10000 : i32
        %lt3A_249 = vector.broadcast %lt3A_248 : i32 to vector<16xi32>
        %lt3A_250 = arith.cmpi ult, %bitcast3A_247, %lt3A_249 : vector<16xi32>
        tpu.vector_store_idx %arg6[%sub3A_246], %get3A_244 masked %lt3A_250 : memref<10000xi32, #tpu.memory_space<vmem>>[vector<16xi32>], vector<16xi32>, vector<16xi1>
        %mul3A_251 = arith.constant 10 : i32
        %mul3A_252 = arith.muli %scan3A_108, %mul3A_251 : i32
        %add3A_253 = arith.constant 9 : i32
        %add3A_254 = arith.addi %mul3A_252, %add3A_253 : i32
        %mul3A_255 = arith.constant 16 : i32
        %mul3A_256 = arith.muli %add3A_254, %mul3A_255 : i32
        %get3A_257 = arith.index_cast %mul3A_256 : i32 to index
        %get3A_258 = tpu.vector_load %arg8[%get3A_257] {strides = array<i32>} : memref<8000xi32, #tpu.memory_space<vmem>>, vector<16xi32>,
        %get3A_259 = arith.index_cast %mul3A_256 : i32 to index
        %get3A_260 = tpu.vector_load %arg10[%get3A_259] {strides = array<i32>} : memref<8000xi32, #tpu.memory_space<vmem>>, vector<16xi32>,
        %sub3A_261 = vector.broadcast %mul3A_2 : i32 to vector<16xi32>
        %sub3A_262 = arith.subi %get3A_258, %sub3A_261 : vector<16xi32>
        %bitcast3A_263 = vector.bitcast %sub3A_262 : vector<16xi32> to vector<16xi32>
        %lt3A_264 = arith.constant 10000 : i32
        %lt3A_265 = vector.broadcast %lt3A_264 : i32 to vector<16xi32>
        %lt3A_266 = arith.cmpi ult, %bitcast3A_263, %lt3A_265 : vector<16xi32>
        tpu.vector_store_idx %arg6[%sub3A_262], %get3A_260 masked %lt3A_266 : memref<10000xi32, #tpu.memory_space<vmem>>[vector<16xi32>], vector<16xi32>, vector<16xi1>
        %scan3A_267 = arith.constant 0 : i32
        scf.yield %scan3A_267 : i32
      }
      %scan3A_106 = arith.constant 50 : i32
      %scan3A_107 = arith.constant 0 : i32
      scf.yield %scan3A_107 : i32
    }
    %scan3A_22 = arith.constant 20 : i32
    %dma_start3A_23 = arith.constant 0 : i32
    %dma_start3A_24 = tpu.memref_slice %arg6[%dma_start3A_23] : memref<10000xi32, #tpu.memory_space<vmem>> -> memref<80xi32, #tpu.memory_space<vmem>>
    %dma_start3A_25 = arith.constant 0 : i32
    %dma_start3A_26 = arith.constant 0 : i32
    %dma_start3A_27 = tpu.memref_slice %arg4[%dma_start3A_25, %dma_start3A_26] : memref<12800x128xf32, #tpu.memory_space<hbm>> -> memref<12800x128xf32, #tpu.memory_space<hbm>>
    tpu.enqueue_indirect_dma source(%dma_start3A_27 : memref<12800x128xf32, #tpu.memory_space<hbm>>) target(%arg13 : memref<80x128xf32, #tpu.memory_space<vmem>>) offsets(%dma_start3A_24 : memref<80xi32, #tpu.memory_space<vmem>>) semaphore(%arg18 : memref<!tpu.dma_semaphore, #tpu.memory_space<semaphore_mem>>)
    %dma_start3A_28 = arith.constant 80 : i32
    %dma_start3A_29 = tpu.memref_slice %arg6[%dma_start3A_28] : memref<10000xi32, #tpu.memory_space<vmem>> -> memref<80xi32, #tpu.memory_space<vmem>>
    %dma_start3A_30 = arith.constant 0 : i32
    %dma_start3A_31 = arith.constant 0 : i32
    %dma_start3A_32 = tpu.memref_slice %arg4[%dma_start3A_30, %dma_start3A_31] : memref<12800x128xf32, #tpu.memory_space<hbm>> -> memref<12800x128xf32, #tpu.memory_space<hbm>>
    tpu.enqueue_indirect_dma source(%dma_start3A_32 : memref<12800x128xf32, #tpu.memory_space<hbm>>) target(%arg14 : memref<80x128xf32, #tpu.memory_space<vmem>>) offsets(%dma_start3A_29 : memref<80xi32, #tpu.memory_space<vmem>>) semaphore(%arg19 : memref<!tpu.dma_semaphore, #tpu.memory_space<semaphore_mem>>)
    %dma_start3A_33 = arith.constant 160 : i32
    %dma_start3A_34 = tpu.memref_slice %arg6[%dma_start3A_33] : memref<10000xi32, #tpu.memory_space<vmem>> -> memref<80xi32, #tpu.memory_space<vmem>>
    %dma_start3A_35 = arith.constant 0 : i32
    %dma_start3A_36 = arith.constant 0 : i32
    %dma_start3A_37 = tpu.memref_slice %arg4[%dma_start3A_35, %dma_start3A_36] : memref<12800x128xf32, #tpu.memory_space<hbm>> -> memref<12800x128xf32, #tpu.memory_space<hbm>>
    tpu.enqueue_indirect_dma source(%dma_start3A_37 : memref<12800x128xf32, #tpu.memory_space<hbm>>) target(%arg15 : memref<80x128xf32, #tpu.memory_space<vmem>>) offsets(%dma_start3A_34 : memref<80xi32, #tpu.memory_space<vmem>>) semaphore(%arg20 : memref<!tpu.dma_semaphore, #tpu.memory_space<semaphore_mem>>)
    %scan3A_38 = arith.constant 0 : i32
    %scan3A_39 = arith.constant 0 : i32
    %scan3A_40 = arith.constant 25 : i32
    %scan3A_41 = arith.addi %scan3A_39, %scan3A_40 : i32
    %scan3A_42 = arith.constant 1 : i32
    %scan3A_43 = scf.for %scan3A_56 = %scan3A_39 to %scan3A_41 step %scan3A_42 iter_args(%scan3A_57 = %scan3A_38) -> (i32)  : i32 {
      %mul3A_58 = arith.constant 5 : i32
      %mul3A_59 = arith.muli %scan3A_56, %mul3A_58 : i32
      %add3A_60 = arith.constant 0 : i32
      %add3A_61 = arith.addi %mul3A_59, %add3A_60 : i32
      %dma_wait3A_62 = arith.constant 0 : i32
      %dma_wait3A_63 = arith.constant 0 : i32
      %dma_wait3A_64 = tpu.memref_slice %arg4[%dma_wait3A_62, %dma_wait3A_63] : memref<12800x128xf32, #tpu.memory_space<hbm>> -> memref<80x128xf32, #tpu.memory_space<hbm>>
      %dma_wait3A_65 = arith.constant 0 : i32
      %dma_wait3A_66 = arith.constant 0 : i32
      %dma_wait3A_67 = tpu.memref_slice %arg4[%dma_wait3A_65, %dma_wait3A_66] : memref<12800x128xf32, #tpu.memory_space<hbm>> -> memref<80x128xf32, #tpu.memory_space<hbm>>
      tpu.wait_dma2 semaphore(%arg18 : memref<!tpu.dma_semaphore, #tpu.memory_space<semaphore_mem>>) src(%dma_wait3A_67 : memref<80x128xf32, #tpu.memory_space<hbm>>) dst(%arg13 : memref<80x128xf32, #tpu.memory_space<vmem>>)
      %mul3A_68 = arith.constant 80 : i32
      %mul3A_69 = arith.muli %add3A_61, %mul3A_68 : i32
      %add3A_70 = arith.addi %mul3A_2, %mul3A_69 : i32
      %dma_start3A_71 = arith.constant 0 : i32
      %dma_start3A_72 = tpu.memref_slice %arg5[%add3A_70, %dma_start3A_71] : memref<320000x128xf32, #tpu.memory_space<hbm>> -> memref<80x128xf32, #tpu.memory_space<hbm>>
      %dma_start3A_73 = arith.constant 0 : i32
      %dma_start3A_74 = tpu.memref_slice %arg5[%add3A_70, %dma_start3A_73] : memref<320000x128xf32, #tpu.memory_space<hbm>> -> memref<80x128xf32, #tpu.memory_space<hbm>>
      tpu.enqueue_dma source(%arg13 : memref<80x128xf32, #tpu.memory_space<vmem>>) target(%dma_start3A_74 : memref<80x128xf32, #tpu.memory_space<hbm>>) target_semaphore(%arg23 : memref<!tpu.dma_semaphore, #tpu.memory_space<semaphore_mem>>)
      %add3A_75 = arith.constant 3 : i32
      %add3A_76 = arith.addi %add3A_61, %add3A_75 : i32
      %ge3A = arith.constant 2 : i32
      %ge3A_77 = arith.cmpi sge, %add3A_61, %ge3A : i32
      %convert_element_type3A = arith.extui %ge3A_77 : i1 to i32
      %cond3A = arith.constant 0 : i32
      %cond3A_78 = arith.cmpi ne, %convert_element_type3A, %cond3A : i32
      scf.if %cond3A_78 {
        %dma_wait3A_200 = arith.constant 0 : i32
        %dma_wait3A_201 = arith.constant 0 : i32
        %dma_wait3A_202 = tpu.memref_slice %arg5[%dma_wait3A_200, %dma_wait3A_201] : memref<320000x128xf32, #tpu.memory_space<hbm>> -> memref<80x128xf32, #tpu.memory_space<hbm>>
        %dma_wait3A_203 = arith.constant 0 : i32
        %dma_wait3A_204 = arith.constant 0 : i32
        %dma_wait3A_205 = tpu.memref_slice %arg5[%dma_wait3A_203, %dma_wait3A_204] : memref<320000x128xf32, #tpu.memory_space<hbm>> -> memref<80x128xf32, #tpu.memory_space<hbm>>
        tpu.wait_dma2 semaphore(%arg26 : memref<!tpu.dma_semaphore, #tpu.memory_space<semaphore_mem>>) src(%arg16 : memref<80x128xf32, #tpu.memory_space<vmem>>) dst(%dma_wait3A_205 : memref<80x128xf32, #tpu.memory_space<hbm>>)
      } else {
      }
      %lt3A = arith.constant 125 : i32
      %lt3A_79 = arith.cmpi slt, %add3A_76, %lt3A : i32
      %convert_element_type3A_80 = arith.extui %lt3A_79 : i1 to i32
      %cond3A_81 = arith.constant 0 : i32
      %cond3A_82 = arith.cmpi ne, %convert_element_type3A_80, %cond3A_81 : i32
      scf.if %cond3A_82 {
        %mul3A_200 = arith.constant 80 : i32
        %mul3A_201 = arith.muli %add3A_76, %mul3A_200 : i32
        %dma_start3A_202 = tpu.memref_slice %arg6[%mul3A_201] : memref<10000xi32, #tpu.memory_space<vmem>> -> memref<80xi32, #tpu.memory_space<vmem>>
        %dma_start3A_203 = arith.constant 0 : i32
        %dma_start3A_204 = arith.constant 0 : i32
        %dma_start3A_205 = tpu.memref_slice %arg4[%dma_start3A_203, %dma_start3A_204] : memref<12800x128xf32, #tpu.memory_space<hbm>> -> memref<12800x128xf32, #tpu.memory_space<hbm>>
        tpu.enqueue_indirect_dma source(%dma_start3A_205 : memref<12800x128xf32, #tpu.memory_space<hbm>>) target(%arg16 : memref<80x128xf32, #tpu.memory_space<vmem>>) offsets(%dma_start3A_202 : memref<80xi32, #tpu.memory_space<vmem>>) semaphore(%arg21 : memref<!tpu.dma_semaphore, #tpu.memory_space<semaphore_mem>>)
      } else {
      }
      %mul3A_83 = arith.constant 5 : i32
      %mul3A_84 = arith.muli %scan3A_56, %mul3A_83 : i32
      %add3A_85 = arith.constant 1 : i32
      %add3A_86 = arith.addi %mul3A_84, %add3A_85 : i32
      %dma_wait3A_87 = arith.constant 0 : i32
      %dma_wait3A_88 = arith.constant 0 : i32
      %dma_wait3A_89 = tpu.memref_slice %arg4[%dma_wait3A_87, %dma_wait3A_88] : memref<12800x128xf32, #tpu.memory_space<hbm>> -> memref<80x128xf32, #tpu.memory_space<hbm>>
      %dma_wait3A_90 = arith.constant 0 : i32
      %dma_wait3A_91 = arith.constant 0 : i32
      %dma_wait3A_92 = tpu.memref_slice %arg4[%dma_wait3A_90, %dma_wait3A_91] : memref<12800x128xf32, #tpu.memory_space<hbm>> -> memref<80x128xf32, #tpu.memory_space<hbm>>
      tpu.wait_dma2 semaphore(%arg19 : memref<!tpu.dma_semaphore, #tpu.memory_space<semaphore_mem>>) src(%dma_wait3A_92 : memref<80x128xf32, #tpu.memory_space<hbm>>) dst(%arg14 : memref<80x128xf32, #tpu.memory_space<vmem>>)
      %mul3A_93 = arith.constant 80 : i32
      %mul3A_94 = arith.muli %add3A_86, %mul3A_93 : i32
      %add3A_95 = arith.addi %mul3A_2, %mul3A_94 : i32
      %dma_start3A_96 = arith.constant 0 : i32
      %dma_start3A_97 = tpu.memref_slice %arg5[%add3A_95, %dma_start3A_96] : memref<320000x128xf32, #tpu.memory_space<hbm>> -> memref<80x128xf32, #tpu.memory_space<hbm>>
      %dma_start3A_98 = arith.constant 0 : i32
      %dma_start3A_99 = tpu.memref_slice %arg5[%add3A_95, %dma_start3A_98] : memref<320000x128xf32, #tpu.memory_space<hbm>> -> memref<80x128xf32, #tpu.memory_space<hbm>>
      tpu.enqueue_dma source(%arg14 : memref<80x128xf32, #tpu.memory_space<vmem>>) target(%dma_start3A_99 : memref<80x128xf32, #tpu.memory_space<hbm>>) target_semaphore(%arg24 : memref<!tpu.dma_semaphore, #tpu.memory_space<semaphore_mem>>)
      %add3A_100 = arith.constant 3 : i32
      %add3A_101 = arith.addi %add3A_86, %add3A_100 : i32
      %ge3A_102 = arith.constant 2 : i32
      %ge3A_103 = arith.cmpi sge, %add3A_86, %ge3A_102 : i32
      %convert_element_type3A_104 = arith.extui %ge3A_103 : i1 to i32
      %cond3A_105 = arith.constant 0 : i32
      %cond3A_106 = arith.cmpi ne, %convert_element_type3A_104, %cond3A_105 : i32
      scf.if %cond3A_106 {
        %dma_wait3A_200 = arith.constant 0 : i32
        %dma_wait3A_201 = arith.constant 0 : i32
        %dma_wait3A_202 = tpu.memref_slice %arg5[%dma_wait3A_200, %dma_wait3A_201] : memref<320000x128xf32, #tpu.memory_space<hbm>> -> memref<80x128xf32, #tpu.memory_space<hbm>>
        %dma_wait3A_203 = arith.constant 0 : i32
        %dma_wait3A_204 = arith.constant 0 : i32
        %dma_wait3A_205 = tpu.memref_slice %arg5[%dma_wait3A_203, %dma_wait3A_204] : memref<320000x128xf32, #tpu.memory_space<hbm>> -> memref<80x128xf32, #tpu.memory_space<hbm>>
        tpu.wait_dma2 semaphore(%arg27 : memref<!tpu.dma_semaphore, #tpu.memory_space<semaphore_mem>>) src(%arg17 : memref<80x128xf32, #tpu.memory_space<vmem>>) dst(%dma_wait3A_205 : memref<80x128xf32, #tpu.memory_space<hbm>>)
      } else {
      }
      %lt3A_107 = arith.constant 125 : i32
      %lt3A_108 = arith.cmpi slt, %add3A_101, %lt3A_107 : i32
      %convert_element_type3A_109 = arith.extui %lt3A_108 : i1 to i32
      %cond3A_110 = arith.constant 0 : i32
      %cond3A_111 = arith.cmpi ne, %convert_element_type3A_109, %cond3A_110 : i32
      scf.if %cond3A_111 {
        %mul3A_200 = arith.constant 80 : i32
        %mul3A_201 = arith.muli %add3A_101, %mul3A_200 : i32
        %dma_start3A_202 = tpu.memref_slice %arg6[%mul3A_201] : memref<10000xi32, #tpu.memory_space<vmem>> -> memref<80xi32, #tpu.memory_space<vmem>>
        %dma_start3A_203 = arith.constant 0 : i32
        %dma_start3A_204 = arith.constant 0 : i32
        %dma_start3A_205 = tpu.memref_slice %arg4[%dma_start3A_203, %dma_start3A_204] : memref<12800x128xf32, #tpu.memory_space<hbm>> -> memref<12800x128xf32, #tpu.memory_space<hbm>>
        tpu.enqueue_indirect_dma source(%dma_start3A_205 : memref<12800x128xf32, #tpu.memory_space<hbm>>) target(%arg17 : memref<80x128xf32, #tpu.memory_space<vmem>>) offsets(%dma_start3A_202 : memref<80xi32, #tpu.memory_space<vmem>>) semaphore(%arg22 : memref<!tpu.dma_semaphore, #tpu.memory_space<semaphore_mem>>)
      } else {
      }
      %mul3A_112 = arith.constant 5 : i32
      %mul3A_113 = arith.muli %scan3A_56, %mul3A_112 : i32
      %add3A_114 = arith.constant 2 : i32
      %add3A_115 = arith.addi %mul3A_113, %add3A_114 : i32
      %dma_wait3A_116 = arith.constant 0 : i32
      %dma_wait3A_117 = arith.constant 0 : i32
      %dma_wait3A_118 = tpu.memref_slice %arg4[%dma_wait3A_116, %dma_wait3A_117] : memref<12800x128xf32, #tpu.memory_space<hbm>> -> memref<80x128xf32, #tpu.memory_space<hbm>>
      %dma_wait3A_119 = arith.constant 0 : i32
      %dma_wait3A_120 = arith.constant 0 : i32
      %dma_wait3A_121 = tpu.memref_slice %arg4[%dma_wait3A_119, %dma_wait3A_120] : memref<12800x128xf32, #tpu.memory_space<hbm>> -> memref<80x128xf32, #tpu.memory_space<hbm>>
      tpu.wait_dma2 semaphore(%arg20 : memref<!tpu.dma_semaphore, #tpu.memory_space<semaphore_mem>>) src(%dma_wait3A_121 : memref<80x128xf32, #tpu.memory_space<hbm>>) dst(%arg15 : memref<80x128xf32, #tpu.memory_space<vmem>>)
      %mul3A_122 = arith.constant 80 : i32
      %mul3A_123 = arith.muli %add3A_115, %mul3A_122 : i32
      %add3A_124 = arith.addi %mul3A_2, %mul3A_123 : i32
      %dma_start3A_125 = arith.constant 0 : i32
      %dma_start3A_126 = tpu.memref_slice %arg5[%add3A_124, %dma_start3A_125] : memref<320000x128xf32, #tpu.memory_space<hbm>> -> memref<80x128xf32, #tpu.memory_space<hbm>>
      %dma_start3A_127 = arith.constant 0 : i32
      %dma_start3A_128 = tpu.memref_slice %arg5[%add3A_124, %dma_start3A_127] : memref<320000x128xf32, #tpu.memory_space<hbm>> -> memref<80x128xf32, #tpu.memory_space<hbm>>
      tpu.enqueue_dma source(%arg15 : memref<80x128xf32, #tpu.memory_space<vmem>>) target(%dma_start3A_128 : memref<80x128xf32, #tpu.memory_space<hbm>>) target_semaphore(%arg25 : memref<!tpu.dma_semaphore, #tpu.memory_space<semaphore_mem>>)
      %add3A_129 = arith.constant 3 : i32
      %add3A_130 = arith.addi %add3A_115, %add3A_129 : i32
      %ge3A_131 = arith.constant 2 : i32
      %ge3A_132 = arith.cmpi sge, %add3A_115, %ge3A_131 : i32
      %convert_element_type3A_133 = arith.extui %ge3A_132 : i1 to i32
      %cond3A_134 = arith.constant 0 : i32
      %cond3A_135 = arith.cmpi ne, %convert_element_type3A_133, %cond3A_134 : i32
      scf.if %cond3A_135 {
        %dma_wait3A_200 = arith.constant 0 : i32
        %dma_wait3A_201 = arith.constant 0 : i32
        %dma_wait3A_202 = tpu.memref_slice %arg5[%dma_wait3A_200, %dma_wait3A_201] : memref<320000x128xf32, #tpu.memory_space<hbm>> -> memref<80x128xf32, #tpu.memory_space<hbm>>
        %dma_wait3A_203 = arith.constant 0 : i32
        %dma_wait3A_204 = arith.constant 0 : i32
        %dma_wait3A_205 = tpu.memref_slice %arg5[%dma_wait3A_203, %dma_wait3A_204] : memref<320000x128xf32, #tpu.memory_space<hbm>> -> memref<80x128xf32, #tpu.memory_space<hbm>>
        tpu.wait_dma2 semaphore(%arg23 : memref<!tpu.dma_semaphore, #tpu.memory_space<semaphore_mem>>) src(%arg13 : memref<80x128xf32, #tpu.memory_space<vmem>>) dst(%dma_wait3A_205 : memref<80x128xf32, #tpu.memory_space<hbm>>)
      } else {
      }
      %lt3A_136 = arith.constant 125 : i32
      %lt3A_137 = arith.cmpi slt, %add3A_130, %lt3A_136 : i32
      %convert_element_type3A_138 = arith.extui %lt3A_137 : i1 to i32
      %cond3A_139 = arith.constant 0 : i32
      %cond3A_140 = arith.cmpi ne, %convert_element_type3A_138, %cond3A_139 : i32
      scf.if %cond3A_140 {
        %mul3A_200 = arith.constant 80 : i32
        %mul3A_201 = arith.muli %add3A_130, %mul3A_200 : i32
        %dma_start3A_202 = tpu.memref_slice %arg6[%mul3A_201] : memref<10000xi32, #tpu.memory_space<vmem>> -> memref<80xi32, #tpu.memory_space<vmem>>
        %dma_start3A_203 = arith.constant 0 : i32
        %dma_start3A_204 = arith.constant 0 : i32
        %dma_start3A_205 = tpu.memref_slice %arg4[%dma_start3A_203, %dma_start3A_204] : memref<12800x128xf32, #tpu.memory_space<hbm>> -> memref<12800x128xf32, #tpu.memory_space<hbm>>
        tpu.enqueue_indirect_dma source(%dma_start3A_205 : memref<12800x128xf32, #tpu.memory_space<hbm>>) target(%arg13 : memref<80x128xf32, #tpu.memory_space<vmem>>) offsets(%dma_start3A_202 : memref<80xi32, #tpu.memory_space<vmem>>) semaphore(%arg18 : memref<!tpu.dma_semaphore, #tpu.memory_space<semaphore_mem>>)
      } else {
      }
      %mul3A_141 = arith.constant 5 : i32
      %mul3A_142 = arith.muli %scan3A_56, %mul3A_141 : i32
      %add3A_143 = arith.constant 3 : i32
      %add3A_144 = arith.addi %mul3A_142, %add3A_143 : i32
      %dma_wait3A_145 = arith.constant 0 : i32
      %dma_wait3A_146 = arith.constant 0 : i32
      %dma_wait3A_147 = tpu.memref_slice %arg4[%dma_wait3A_145, %dma_wait3A_146] : memref<12800x128xf32, #tpu.memory_space<hbm>> -> memref<80x128xf32, #tpu.memory_space<hbm>>
      %dma_wait3A_148 = arith.constant 0 : i32
      %dma_wait3A_149 = arith.constant 0 : i32
      %dma_wait3A_150 = tpu.memref_slice %arg4[%dma_wait3A_148, %dma_wait3A_149] : memref<12800x128xf32, #tpu.memory_space<hbm>> -> memref<80x128xf32, #tpu.memory_space<hbm>>
      tpu.wait_dma2 semaphore(%arg21 : memref<!tpu.dma_semaphore, #tpu.memory_space<semaphore_mem>>) src(%dma_wait3A_150 : memref<80x128xf32, #tpu.memory_space<hbm>>) dst(%arg16 : memref<80x128xf32, #tpu.memory_space<vmem>>)
      %mul3A_151 = arith.constant 80 : i32
      %mul3A_152 = arith.muli %add3A_144, %mul3A_151 : i32
      %add3A_153 = arith.addi %mul3A_2, %mul3A_152 : i32
      %dma_start3A_154 = arith.constant 0 : i32
      %dma_start3A_155 = tpu.memref_slice %arg5[%add3A_153, %dma_start3A_154] : memref<320000x128xf32, #tpu.memory_space<hbm>> -> memref<80x128xf32, #tpu.memory_space<hbm>>
      %dma_start3A_156 = arith.constant 0 : i32
      %dma_start3A_157 = tpu.memref_slice %arg5[%add3A_153, %dma_start3A_156] : memref<320000x128xf32, #tpu.memory_space<hbm>> -> memref<80x128xf32, #tpu.memory_space<hbm>>
      tpu.enqueue_dma source(%arg16 : memref<80x128xf32, #tpu.memory_space<vmem>>) target(%dma_start3A_157 : memref<80x128xf32, #tpu.memory_space<hbm>>) target_semaphore(%arg26 : memref<!tpu.dma_semaphore, #tpu.memory_space<semaphore_mem>>)
      %add3A_158 = arith.constant 3 : i32
      %add3A_159 = arith.addi %add3A_144, %add3A_158 : i32
      %ge3A_160 = arith.constant 2 : i32
      %ge3A_161 = arith.cmpi sge, %add3A_144, %ge3A_160 : i32
      %convert_element_type3A_162 = arith.extui %ge3A_161 : i1 to i32
      %cond3A_163 = arith.constant 0 : i32
      %cond3A_164 = arith.cmpi ne, %convert_element_type3A_162, %cond3A_163 : i32
      scf.if %cond3A_164 {
        %dma_wait3A_200 = arith.constant 0 : i32
        %dma_wait3A_201 = arith.constant 0 : i32
        %dma_wait3A_202 = tpu.memref_slice %arg5[%dma_wait3A_200, %dma_wait3A_201] : memref<320000x128xf32, #tpu.memory_space<hbm>> -> memref<80x128xf32, #tpu.memory_space<hbm>>
        %dma_wait3A_203 = arith.constant 0 : i32
        %dma_wait3A_204 = arith.constant 0 : i32
        %dma_wait3A_205 = tpu.memref_slice %arg5[%dma_wait3A_203, %dma_wait3A_204] : memref<320000x128xf32, #tpu.memory_space<hbm>> -> memref<80x128xf32, #tpu.memory_space<hbm>>
        tpu.wait_dma2 semaphore(%arg24 : memref<!tpu.dma_semaphore, #tpu.memory_space<semaphore_mem>>) src(%arg14 : memref<80x128xf32, #tpu.memory_space<vmem>>) dst(%dma_wait3A_205 : memref<80x128xf32, #tpu.memory_space<hbm>>)
      } else {
      }
      %lt3A_165 = arith.constant 125 : i32
      %lt3A_166 = arith.cmpi slt, %add3A_159, %lt3A_165 : i32
      %convert_element_type3A_167 = arith.extui %lt3A_166 : i1 to i32
      %cond3A_168 = arith.constant 0 : i32
      %cond3A_169 = arith.cmpi ne, %convert_element_type3A_167, %cond3A_168 : i32
      scf.if %cond3A_169 {
        %mul3A_200 = arith.constant 80 : i32
        %mul3A_201 = arith.muli %add3A_159, %mul3A_200 : i32
        %dma_start3A_202 = tpu.memref_slice %arg6[%mul3A_201] : memref<10000xi32, #tpu.memory_space<vmem>> -> memref<80xi32, #tpu.memory_space<vmem>>
        %dma_start3A_203 = arith.constant 0 : i32
        %dma_start3A_204 = arith.constant 0 : i32
        %dma_start3A_205 = tpu.memref_slice %arg4[%dma_start3A_203, %dma_start3A_204] : memref<12800x128xf32, #tpu.memory_space<hbm>> -> memref<12800x128xf32, #tpu.memory_space<hbm>>
        tpu.enqueue_indirect_dma source(%dma_start3A_205 : memref<12800x128xf32, #tpu.memory_space<hbm>>) target(%arg14 : memref<80x128xf32, #tpu.memory_space<vmem>>) offsets(%dma_start3A_202 : memref<80xi32, #tpu.memory_space<vmem>>) semaphore(%arg19 : memref<!tpu.dma_semaphore, #tpu.memory_space<semaphore_mem>>)
      } else {
      }
      %mul3A_170 = arith.constant 5 : i32
      %mul3A_171 = arith.muli %scan3A_56, %mul3A_170 : i32
      %add3A_172 = arith.constant 4 : i32
      %add3A_173 = arith.addi %mul3A_171, %add3A_172 : i32
      %dma_wait3A_174 = arith.constant 0 : i32
      %dma_wait3A_175 = arith.constant 0 : i32
      %dma_wait3A_176 = tpu.memref_slice %arg4[%dma_wait3A_174, %dma_wait3A_175] : memref<12800x128xf32, #tpu.memory_space<hbm>> -> memref<80x128xf32, #tpu.memory_space<hbm>>
      %dma_wait3A_177 = arith.constant 0 : i32
      %dma_wait3A_178 = arith.constant 0 : i32
      %dma_wait3A_179 = tpu.memref_slice %arg4[%dma_wait3A_177, %dma_wait3A_178] : memref<12800x128xf32, #tpu.memory_space<hbm>> -> memref<80x128xf32, #tpu.memory_space<hbm>>
      tpu.wait_dma2 semaphore(%arg22 : memref<!tpu.dma_semaphore, #tpu.memory_space<semaphore_mem>>) src(%dma_wait3A_179 : memref<80x128xf32, #tpu.memory_space<hbm>>) dst(%arg17 : memref<80x128xf32, #tpu.memory_space<vmem>>)
      %mul3A_180 = arith.constant 80 : i32
      %mul3A_181 = arith.muli %add3A_173, %mul3A_180 : i32
      %add3A_182 = arith.addi %mul3A_2, %mul3A_181 : i32
      %dma_start3A_183 = arith.constant 0 : i32
      %dma_start3A_184 = tpu.memref_slice %arg5[%add3A_182, %dma_start3A_183] : memref<320000x128xf32, #tpu.memory_space<hbm>> -> memref<80x128xf32, #tpu.memory_space<hbm>>
      %dma_start3A_185 = arith.constant 0 : i32
      %dma_start3A_186 = tpu.memref_slice %arg5[%add3A_182, %dma_start3A_185] : memref<320000x128xf32, #tpu.memory_space<hbm>> -> memref<80x128xf32, #tpu.memory_space<hbm>>
      tpu.enqueue_dma source(%arg17 : memref<80x128xf32, #tpu.memory_space<vmem>>) target(%dma_start3A_186 : memref<80x128xf32, #tpu.memory_space<hbm>>) target_semaphore(%arg27 : memref<!tpu.dma_semaphore, #tpu.memory_space<semaphore_mem>>)
      %add3A_187 = arith.constant 3 : i32
      %add3A_188 = arith.addi %add3A_173, %add3A_187 : i32
      %ge3A_189 = arith.constant 2 : i32
      %ge3A_190 = arith.cmpi sge, %add3A_173, %ge3A_189 : i32
      %convert_element_type3A_191 = arith.extui %ge3A_190 : i1 to i32
      %cond3A_192 = arith.constant 0 : i32
      %cond3A_193 = arith.cmpi ne, %convert_element_type3A_191, %cond3A_192 : i32
      scf.if %cond3A_193 {
        %dma_wait3A_200 = arith.constant 0 : i32
        %dma_wait3A_201 = arith.constant 0 : i32
        %dma_wait3A_202 = tpu.memref_slice %arg5[%dma_wait3A_200, %dma_wait3A_201] : memref<320000x128xf32, #tpu.memory_space<hbm>> -> memref<80x128xf32, #tpu.memory_space<hbm>>
        %dma_wait3A_203 = arith.constant 0 : i32
        %dma_wait3A_204 = arith.constant 0 : i32
        %dma_wait3A_205 = tpu.memref_slice %arg5[%dma_wait3A_203, %dma_wait3A_204] : memref<320000x128xf32, #tpu.memory_space<hbm>> -> memref<80x128xf32, #tpu.memory_space<hbm>>
        tpu.wait_dma2 semaphore(%arg25 : memref<!tpu.dma_semaphore, #tpu.memory_space<semaphore_mem>>) src(%arg15 : memref<80x128xf32, #tpu.memory_space<vmem>>) dst(%dma_wait3A_205 : memref<80x128xf32, #tpu.memory_space<hbm>>)
      } else {
      }
      %lt3A_194 = arith.constant 125 : i32
      %lt3A_195 = arith.cmpi slt, %add3A_188, %lt3A_194 : i32
      %convert_element_type3A_196 = arith.extui %lt3A_195 : i1 to i32
      %cond3A_197 = arith.constant 0 : i32
      %cond3A_198 = arith.cmpi ne, %convert_element_type3A_196, %cond3A_197 : i32
      scf.if %cond3A_198 {
        %mul3A_200 = arith.constant 80 : i32
        %mul3A_201 = arith.muli %add3A_188, %mul3A_200 : i32
        %dma_start3A_202 = tpu.memref_slice %arg6[%mul3A_201] : memref<10000xi32, #tpu.memory_space<vmem>> -> memref<80xi32, #tpu.memory_space<vmem>>
        %dma_start3A_203 = arith.constant 0 : i32
        %dma_start3A_204 = arith.constant 0 : i32
        %dma_start3A_205 = tpu.memref_slice %arg4[%dma_start3A_203, %dma_start3A_204] : memref<12800x128xf32, #tpu.memory_space<hbm>> -> memref<12800x128xf32, #tpu.memory_space<hbm>>
        tpu.enqueue_indirect_dma source(%dma_start3A_205 : memref<12800x128xf32, #tpu.memory_space<hbm>>) target(%arg15 : memref<80x128xf32, #tpu.memory_space<vmem>>) offsets(%dma_start3A_202 : memref<80xi32, #tpu.memory_space<vmem>>) semaphore(%arg20 : memref<!tpu.dma_semaphore, #tpu.memory_space<semaphore_mem>>)
      } else {
      }
      %scan3A_199 = arith.constant 0 : i32
      scf.yield %scan3A_199 : i32
    }
    %scan3A_44 = arith.constant 25 : i32
    %dma_wait3A = arith.constant 0 : i32
    %dma_wait3A_45 = arith.constant 0 : i32
    %dma_wait3A_46 = tpu.memref_slice %arg5[%dma_wait3A, %dma_wait3A_45] : memref<320000x128xf32, #tpu.memory_space<hbm>> -> memref<80x128xf32, #tpu.memory_space<hbm>>
    %dma_wait3A_47 = arith.constant 0 : i32
    %dma_wait3A_48 = arith.constant 0 : i32
    %dma_wait3A_49 = tpu.memref_slice %arg5[%dma_wait3A_47, %dma_wait3A_48] : memref<320000x128xf32, #tpu.memory_space<hbm>> -> memref<80x128xf32, #tpu.memory_space<hbm>>
    tpu.wait_dma2 semaphore(%arg26 : memref<!tpu.dma_semaphore, #tpu.memory_space<semaphore_mem>>) src(%arg16 : memref<80x128xf32, #tpu.memory_space<vmem>>) dst(%dma_wait3A_49 : memref<80x128xf32, #tpu.memory_space<hbm>>)
    %dma_wait3A_50 = arith.constant 0 : i32
    %dma_wait3A_51 = arith.constant 0 : i32
    %dma_wait3A_52 = tpu.memref_slice %arg5[%dma_wait3A_50, %dma_wait3A_51] : memref<320000x128xf32, #tpu.memory_space<hbm>> -> memref<80x128xf32, #tpu.memory_space<hbm>>
    %dma_wait3A_53 = arith.constant 0 : i32
    %dma_wait3A_54 = arith.constant 0 : i32
    %dma_wait3A_55 = tpu.memref_slice %arg5[%dma_wait3A_53, %dma_wait3A_54] : memref<320000x128xf32, #tpu.memory_space<hbm>> -> memref<80x128xf32, #tpu.memory_space<hbm>>
    tpu.wait_dma2 semaphore(%arg27 : memref<!tpu.dma_semaphore, #tpu.memory_space<semaphore_mem>>) src(%arg17 : memref<80x128xf32, #tpu.memory_space<vmem>>) dst(%dma_wait3A_55 : memref<80x128xf32, #tpu.memory_space<hbm>>)
    return
  }
}

module attributes {stable_mosaic.version = 14 : i64} {
  func.func @_mlp1_body(%arg0: i32, %arg1: memref<512x128xf32, #tpu.memory_space<vmem>>, %arg2: memref<1x1x100x128xi32, #tpu.memory_space<vmem>>, %arg3: memref<1x100x128xi32, #tpu.memory_space<vmem>>, %arg4: memref<128x128xf32, #tpu.memory_space<vmem>>, %arg5: memref<1x128xf32, #tpu.memory_space<vmem>>, %arg6: memref<128x128xf32, #tpu.memory_space<vmem>>, %arg7: memref<1x128xf32, #tpu.memory_space<vmem>>, %arg8: memref<512x128xf32, #tpu.memory_space<vmem>>, %arg9: memref<1x100x128xi32, #tpu.memory_space<vmem>>) attributes {dimension_semantics = [#tpu.dimension_semantics<arbitrary>], iteration_bounds = array<i64: 25>, scalar_prefetch = 0 : i64, scratch_operands = 0 : i64, tpu.core_type = #tpu.core_type<tc>, window_params = [{transform_indices = @transform_0, window_bounds = array<i64: 512, 128>}, {transform_indices = @transform_1, window_bounds = array<i64: 1, 1, 100, 128>}, {transform_indices = @transform_2, window_bounds = array<i64: 1, 100, 128>}, {pipeline_mode = #tpu.pipeline_mode<synchronous>, transform_indices = @transform_3, window_bounds = array<i64: 128, 128>}, {pipeline_mode = #tpu.pipeline_mode<synchronous>, transform_indices = @transform_4, window_bounds = array<i64: 1, 128>}, {pipeline_mode = #tpu.pipeline_mode<synchronous>, transform_indices = @transform_5, window_bounds = array<i64: 128, 128>}, {pipeline_mode = #tpu.pipeline_mode<synchronous>, transform_indices = @transform_6, window_bounds = array<i64: 1, 128>}, {transform_indices = @transform_7, window_bounds = array<i64: 512, 128>}, {transform_indices = @transform_8, window_bounds = array<i64: 1, 100, 128>}]} {
    %get3A = arith.constant 0 : index
    %get3A_0 = arith.constant 0 : index
    %get3A_1 = vector.load %arg1[%get3A, %get3A_0] : memref<512x128xf32, #tpu.memory_space<vmem>>, vector<512x128xf32>
    %get3A_2 = arith.constant 0 : index
    %get3A_3 = arith.constant 0 : index
    %get3A_4 = vector.load %arg4[%get3A_2, %get3A_3] : memref<128x128xf32, #tpu.memory_space<vmem>>, vector<128x128xf32>
    %dot_general3A = arith.constant dense<0.000000e+00> : vector<512x128xf32>
    %dot_general3A_5 = tpu.matmul %get3A_1, %get3A_4, %dot_general3A {dimension_numbers = #tpu.dot_dimension_numbers<[1], [0], [0], [1], [0, 0, 1, 1], [], []>, transpose_lhs_hint = false} : vector<512x128xf32>, vector<128x128xf32>, vector<512x128xf32> -> vector<512x128xf32>
    %get3A_6 = arith.constant 0 : index
    %get3A_7 = arith.constant 0 : index
    %get3A_8 = vector.load %arg5[%get3A_6, %get3A_7] : memref<1x128xf32, #tpu.memory_space<vmem>>, vector<1x128xf32>
    %add3A = vector.broadcast %get3A_8 : vector<1x128xf32> to vector<512x128xf32>
    %add3A_9 = arith.addf %dot_general3A_5, %add3A : vector<512x128xf32>
    %max3A = arith.constant 0.000000e+00 : f32
    %max3A_10 = vector.broadcast %max3A : f32 to vector<512x128xf32>
    %max3A_11 = arith.maximumf %add3A_9, %max3A_10 : vector<512x128xf32>
    %get3A_12 = arith.constant 0 : index
    %get3A_13 = arith.constant 0 : index
    %get3A_14 = vector.load %arg6[%get3A_12, %get3A_13] : memref<128x128xf32, #tpu.memory_space<vmem>>, vector<128x128xf32>
    %dot_general3A_15 = arith.constant dense<0.000000e+00> : vector<512x128xf32>
    %dot_general3A_16 = tpu.matmul %max3A_11, %get3A_14, %dot_general3A_15 {dimension_numbers = #tpu.dot_dimension_numbers<[1], [0], [0], [1], [0, 0, 1, 1], [], []>, transpose_lhs_hint = false} : vector<512x128xf32>, vector<128x128xf32>, vector<512x128xf32> -> vector<512x128xf32>
    %get3A_17 = arith.constant 0 : index
    %get3A_18 = arith.constant 0 : index
    %get3A_19 = vector.load %arg7[%get3A_17, %get3A_18] : memref<1x128xf32, #tpu.memory_space<vmem>>, vector<1x128xf32>
    %add3A_20 = vector.broadcast %get3A_19 : vector<1x128xf32> to vector<512x128xf32>
    %add3A_21 = arith.addf %dot_general3A_16, %add3A_20 : vector<512x128xf32>
    %mul3A = arith.constant 512 : i32
    %mul3A_22 = arith.muli %arg0, %mul3A : i32
    %iota3A = tpu.iota {dimensions = array<i32: 0>} : vector<512x1xi32>
    %add3A_23 = vector.broadcast %mul3A_22 : i32 to vector<512x1xi32>
    %add3A_24 = arith.addi %add3A_23, %iota3A : vector<512x1xi32>
    %lt3A = arith.constant 10000 : i32
    %lt3A_25 = vector.broadcast %lt3A : i32 to vector<512x1xi32>
    %lt3A_26 = arith.cmpi slt, %add3A_24, %lt3A_25 : vector<512x1xi32>
    %jit3A = arith.constant 0.000000e+00 : f32
    %broadcast_in_dim3A = vector.shape_cast %lt3A_26 : vector<512x1xi1> to vector<512x1xi1>
    %broadcast_in_dim3A_27 = vector.broadcast %broadcast_in_dim3A : vector<512x1xi1> to vector<512x128xi1>
    %broadcast_in_dim3A_28 = vector.broadcast %jit3A : f32 to vector<512x128xf32>
    %select_n3A = arith.select %broadcast_in_dim3A_27, %add3A_21, %broadcast_in_dim3A_28 : vector<512x128xi1>, vector<512x128xf32>
    %swap3A = arith.constant 0 : index
    %swap3A_29 = arith.constant 0 : index
    %swap3A_30 = vector.load %arg8[%swap3A, %swap3A_29] : memref<512x128xf32, #tpu.memory_space<vmem>>, vector<512x128xf32>
    tpu.vector_store %arg8[%swap3A, %swap3A_29], %select_n3A {strides = array<i32>} : memref<512x128xf32, #tpu.memory_space<vmem>>, vector<512x128xf32>,
    %get3A_31 = arith.constant 0 : index
    %get3A_32 = arith.constant 0 : index
    %get3A_33 = arith.constant 0 : index
    %get3A_34 = arith.constant 0 : index
    %get3A_35 = vector.load %arg2[%get3A_31, %get3A_32, %get3A_33, %get3A_34] : memref<1x1x100x128xi32, #tpu.memory_space<vmem>>, vector<1x1x100x128xi32>
    %get3A_36 = vector.shape_cast %get3A_35 : vector<1x1x100x128xi32> to vector<1x100x128xi32>
    %mul3A_37 = arith.constant 32 : i32
    %mul3A_38 = vector.broadcast %mul3A_37 : i32 to vector<1x100x128xi32>
    %mul3A_39 = arith.muli %get3A_36, %mul3A_38 : vector<1x100x128xi32>
    %get3A_40 = arith.constant 0 : index
    %get3A_41 = arith.constant 0 : index
    %get3A_42 = arith.constant 0 : index
    %get3A_43 = vector.load %arg3[%get3A_40, %get3A_41, %get3A_42] : memref<1x100x128xi32, #tpu.memory_space<vmem>>, vector<1x100x128xi32>
    %add3A_44 = arith.addi %mul3A_39, %get3A_43 : vector<1x100x128xi32>
    %swap3A_45 = arith.constant 0 : index
    %swap3A_46 = arith.constant 0 : index
    %swap3A_47 = arith.constant 0 : index
    %swap3A_48 = vector.load %arg9[%swap3A_45, %swap3A_46, %swap3A_47] : memref<1x100x128xi32, #tpu.memory_space<vmem>>, vector<1x100x128xi32>
    tpu.vector_store %arg9[%swap3A_45, %swap3A_46, %swap3A_47], %add3A_44 {strides = array<i32>} : memref<1x100x128xi32, #tpu.memory_space<vmem>>, vector<1x100x128xi32>,
    return
  }
  func.func @transform_0(%arg0: i32) -> (i32, i32) {
    %min3A = arith.constant 19 : i32
    %min3A_0 = arith.minsi %arg0, %min3A : i32
    %c0_i32 = arith.constant 0 : i32
    %c0_i32_1 = arith.constant 0 : i32
    return %min3A_0, %c0_i32 : i32, i32
  }
  func.func @transform_1(%arg0: i32) -> (i32, i32, i32, i32) {
    %c1_i32 = arith.constant 1 : i32
    %c0_i32 = arith.constant 0 : i32
    %c0_i32_0 = arith.constant 0 : i32
    %c0_i32_1 = arith.constant 0 : i32
    return %c1_i32, %arg0, %c0_i32, %c0_i32_0 : i32, i32, i32, i32
  }
  func.func @transform_2(%arg0: i32) -> (i32, i32, i32) {
    %c0_i32 = arith.constant 0 : i32
    %c0_i32_0 = arith.constant 0 : i32
    %c0_i32_1 = arith.constant 0 : i32
    return %arg0, %c0_i32, %c0_i32_0 : i32, i32, i32
  }
  func.func @transform_3(%arg0: i32) -> (i32, i32) {
    %c0_i32 = arith.constant 0 : i32
    %c0_i32_0 = arith.constant 0 : i32
    %c0_i32_1 = arith.constant 0 : i32
    return %c0_i32, %c0_i32_0 : i32, i32
  }
  func.func @transform_4(%arg0: i32) -> (i32, i32) {
    %c0_i32 = arith.constant 0 : i32
    %c0_i32_0 = arith.constant 0 : i32
    %c0_i32_1 = arith.constant 0 : i32
    return %c0_i32, %c0_i32_0 : i32, i32
  }
  func.func @transform_5(%arg0: i32) -> (i32, i32) {
    %c0_i32 = arith.constant 0 : i32
    %c0_i32_0 = arith.constant 0 : i32
    %c0_i32_1 = arith.constant 0 : i32
    return %c0_i32, %c0_i32_0 : i32, i32
  }
  func.func @transform_6(%arg0: i32) -> (i32, i32) {
    %c0_i32 = arith.constant 0 : i32
    %c0_i32_0 = arith.constant 0 : i32
    %c0_i32_1 = arith.constant 0 : i32
    return %c0_i32, %c0_i32_0 : i32, i32
  }
  func.func @transform_7(%arg0: i32) -> (i32, i32) {
    %c0_i32 = arith.constant 0 : i32
    %c0_i32_0 = arith.constant 0 : i32
    return %arg0, %c0_i32 : i32, i32
  }
  func.func @transform_8(%arg0: i32) -> (i32, i32, i32) {
    %c0_i32 = arith.constant 0 : i32
    %c0_i32_0 = arith.constant 0 : i32
    %c0_i32_1 = arith.constant 0 : i32
    return %arg0, %c0_i32, %c0_i32_0 : i32, i32, i32
  }
}

module attributes {stable_mosaic.version = 14 : i64} {
  func.func @_mlp2_body(%arg0: i32, %arg1: memref<12800x128xf32, #tpu.memory_space<vmem>>, %arg2: memref<400x128xf32, #tpu.memory_space<vmem>>, %arg3: memref<4096x128xf32, #tpu.memory_space<vmem>>, %arg4: memref<128x128xf32, #tpu.memory_space<vmem>>, %arg5: memref<1x128xf32, #tpu.memory_space<vmem>>, %arg6: memref<128x128xf32, #tpu.memory_space<vmem>>, %arg7: memref<1x128xf32, #tpu.memory_space<vmem>>, %arg8: memref<400x128xf32, #tpu.memory_space<vmem>>) attributes {dimension_semantics = [#tpu.dimension_semantics<arbitrary>], iteration_bounds = array<i64: 25>, scalar_prefetch = 0 : i64, scratch_operands = 0 : i64, tpu.core_type = #tpu.core_type<tc>, window_params = [{transform_indices = @transform_0, window_bounds = array<i64: 12800, 128>}, {transform_indices = @transform_1, window_bounds = array<i64: 400, 128>}, {transform_indices = @transform_2, window_bounds = array<i64: 4096, 128>}, {transform_indices = @transform_3, window_bounds = array<i64: 128, 128>}, {pipeline_mode = #tpu.pipeline_mode<synchronous>, transform_indices = @transform_4, window_bounds = array<i64: 1, 128>}, {pipeline_mode = #tpu.pipeline_mode<synchronous>, transform_indices = @transform_5, window_bounds = array<i64: 128, 128>}, {pipeline_mode = #tpu.pipeline_mode<synchronous>, transform_indices = @transform_6, window_bounds = array<i64: 1, 128>}, {transform_indices = @transform_7, window_bounds = array<i64: 400, 128>}]} {
    %get3A = arith.constant 0 : index
    %get3A_0 = arith.constant 0 : index
    %get3A_1 = vector.load %arg1[%get3A, %get3A_0] : memref<12800x128xf32, #tpu.memory_space<vmem>>, vector<12800x128xf32>
    %reshape3A = vector.shape_cast %get3A_1 : vector<12800x128xf32> to vector<400x4096xf32>
    %get3A_2 = arith.constant 0 : index
    %get3A_3 = arith.constant 0 : index
    %get3A_4 = vector.load %arg3[%get3A_2, %get3A_3] : memref<4096x128xf32, #tpu.memory_space<vmem>>, vector<4096x128xf32>
    %dot_general3A = arith.constant dense<0.000000e+00> : vector<400x128xf32>
    %dot_general3A_5 = tpu.matmul %reshape3A, %get3A_4, %dot_general3A {dimension_numbers = #tpu.dot_dimension_numbers<[1], [0], [0], [1], [0, 0, 1, 1], [], []>, transpose_lhs_hint = false} : vector<400x4096xf32>, vector<4096x128xf32>, vector<400x128xf32> -> vector<400x128xf32>
    %get3A_6 = arith.constant 0 : index
    %get3A_7 = arith.constant 0 : index
    %get3A_8 = vector.load %arg2[%get3A_6, %get3A_7] : memref<400x128xf32, #tpu.memory_space<vmem>>, vector<400x128xf32>
    %get3A_9 = arith.constant 0 : index
    %get3A_10 = arith.constant 0 : index
    %get3A_11 = vector.load %arg4[%get3A_9, %get3A_10] : memref<128x128xf32, #tpu.memory_space<vmem>>, vector<128x128xf32>
    %dot_general3A_12 = arith.constant dense<0.000000e+00> : vector<400x128xf32>
    %dot_general3A_13 = tpu.matmul %get3A_8, %get3A_11, %dot_general3A_12 {dimension_numbers = #tpu.dot_dimension_numbers<[1], [0], [0], [1], [0, 0, 1, 1], [], []>, transpose_lhs_hint = false} : vector<400x128xf32>, vector<128x128xf32>, vector<400x128xf32> -> vector<400x128xf32>
    %add3A = arith.addf %dot_general3A_5, %dot_general3A_13 : vector<400x128xf32>
    %get3A_14 = arith.constant 0 : index
    %get3A_15 = arith.constant 0 : index
    %get3A_16 = vector.load %arg5[%get3A_14, %get3A_15] : memref<1x128xf32, #tpu.memory_space<vmem>>, vector<1x128xf32>
    %add3A_17 = vector.broadcast %get3A_16 : vector<1x128xf32> to vector<400x128xf32>
    %add3A_18 = arith.addf %add3A, %add3A_17 : vector<400x128xf32>
    %max3A = arith.constant 0.000000e+00 : f32
    %max3A_19 = vector.broadcast %max3A : f32 to vector<400x128xf32>
    %max3A_20 = arith.maximumf %add3A_18, %max3A_19 : vector<400x128xf32>
    %get3A_21 = arith.constant 0 : index
    %get3A_22 = arith.constant 0 : index
    %get3A_23 = vector.load %arg6[%get3A_21, %get3A_22] : memref<128x128xf32, #tpu.memory_space<vmem>>, vector<128x128xf32>
    %dot_general3A_24 = arith.constant dense<0.000000e+00> : vector<400x128xf32>
    %dot_general3A_25 = tpu.matmul %max3A_20, %get3A_23, %dot_general3A_24 {dimension_numbers = #tpu.dot_dimension_numbers<[1], [0], [0], [1], [0, 0, 1, 1], [], []>, transpose_lhs_hint = false} : vector<400x128xf32>, vector<128x128xf32>, vector<400x128xf32> -> vector<400x128xf32>
    %get3A_26 = arith.constant 0 : index
    %get3A_27 = arith.constant 0 : index
    %get3A_28 = vector.load %arg7[%get3A_26, %get3A_27] : memref<1x128xf32, #tpu.memory_space<vmem>>, vector<1x128xf32>
    %add3A_29 = vector.broadcast %get3A_28 : vector<1x128xf32> to vector<400x128xf32>
    %add3A_30 = arith.addf %dot_general3A_25, %add3A_29 : vector<400x128xf32>
    %swap3A = arith.constant 0 : index
    %swap3A_31 = arith.constant 0 : index
    %swap3A_32 = vector.load %arg8[%swap3A, %swap3A_31] : memref<400x128xf32, #tpu.memory_space<vmem>>, vector<400x128xf32>
    tpu.vector_store %arg8[%swap3A, %swap3A_31], %add3A_30 {strides = array<i32>} : memref<400x128xf32, #tpu.memory_space<vmem>>, vector<400x128xf32>,
    return
  }
  func.func @transform_0(%arg0: i32) -> (i32, i32) {
    %c0_i32 = arith.constant 0 : i32
    %c0_i32_0 = arith.constant 0 : i32
    return %arg0, %c0_i32 : i32, i32
  }
  func.func @transform_1(%arg0: i32) -> (i32, i32) {
    %c0_i32 = arith.constant 0 : i32
    %c0_i32_0 = arith.constant 0 : i32
    return %arg0, %c0_i32 : i32, i32
  }
  func.func @transform_2(%arg0: i32) -> (i32, i32) {
    %c0_i32 = arith.constant 0 : i32
    %c0_i32_0 = arith.constant 0 : i32
    %c0_i32_1 = arith.constant 0 : i32
    return %c0_i32, %c0_i32_0 : i32, i32
  }
  func.func @transform_3(%arg0: i32) -> (i32, i32) {
    %c32_i32 = arith.constant 32 : i32
    %c0_i32 = arith.constant 0 : i32
    %c0_i32_0 = arith.constant 0 : i32
    return %c32_i32, %c0_i32 : i32, i32
  }
  func.func @transform_4(%arg0: i32) -> (i32, i32) {
    %c0_i32 = arith.constant 0 : i32
    %c0_i32_0 = arith.constant 0 : i32
    %c0_i32_1 = arith.constant 0 : i32
    return %c0_i32, %c0_i32_0 : i32, i32
  }
  func.func @transform_5(%arg0: i32) -> (i32, i32) {
    %c0_i32 = arith.constant 0 : i32
    %c0_i32_0 = arith.constant 0 : i32
    %c0_i32_1 = arith.constant 0 : i32
    return %c0_i32, %c0_i32_0 : i32, i32
  }
  func.func @transform_6(%arg0: i32) -> (i32, i32) {
    %c0_i32 = arith.constant 0 : i32
    %c0_i32_0 = arith.constant 0 : i32
    %c0_i32_1 = arith.constant 0 : i32
    return %c0_i32, %c0_i32_0 : i32, i32
  }
  func.func @transform_7(%arg0: i32) -> (i32, i32) {
    %c0_i32 = arith.constant 0 : i32
    %c0_i32_0 = arith.constant 0 : i32
    return %arg0, %c0_i32 : i32, i32
  }
}

</mosaic_0001>

<sc_bundles>
// kernel: kernel.5.cloned.1.call-start
scs
__scs_entry_jumppad:
0x0: {  	(pc) =	sbr.rel $0x88, $3  }
0x1: {  	(tag) =	ssettag $0x0;
	lr =	simm.s32 $0x1  }
0x2: {  	[smem:$0x3F96] =	sst lr;
	_ =	strace $0xD0000000  }
0x3: {  	_ = 	snop  }
0x4: {  	_ = 	snop  }
0x5: {  	_ = 	snop  }
0x6: {  	_ = 	snop  }
0x7: {  	_ = 	snop  }
__scs_overlays_trampoline_lowered:
0x8: {  	[smem:$0x3FA5] =	sst s0  }
0x9: {  	[smem:$0x3FA6] =	sst s1  }
0xa: {  	[smem:$0x3FA7] =	sst s2  }
0xb: {  	[smem:$0x3FA8] =	sst s3  }
0xc: {  	[smem:$0x3FA9] =	sst s4  }
0xd: {  	[smem:$0x3FAA] =	sst s5  }
0xe: {  	[smem:$0x3FAB] =	sst s6  }
0xf: {  	[smem:$0x3FAC] =	sst s7  }
0x10: {  	[smem:$0x3FAD] =	sst s8  }
0x11: {  	[smem:$0x3FAE] =	sst s9;
	s0 =	simm.s32 @!p0 $0x0  }
0x12: {  	s1 =	sld [smem:$0x3F94];
	s0 =	simm.s32 @p0 $0x1  }
0x13: {  	[smem:$0x3FAF] =	sst s0;
	s0 =	simm.s32 @!p1 $0x0  }
0x14: {  	s2 =	sld [smem:$0x3F93];
	s0 =	simm.s32 @p1 $0x1  }
0x15: {  	[smem:$0x3FB0] =	sst s0;
	s0 =	simm.s32 @!p2 $0x0  }
0x16: {  	s3 =	sld [smem:$0x3FDB];
	s0 =	simm.s32 @p2 $0x1  }
0x17: {  	s4 =	simm.s32 $0x1BF5;
	[smem:$0x3FB2] =	sst s0  }
0x18: {  	s0 =	sld [smem:$0x3F95];
	_ =	swait.ge [sflag:s4], $0x0  }
0x19: {  	s7 =	sld [smem:$0x3F96]  }
0x1a: {  	s8 =	sadd.s32 $0xFFFFE003, lr  }
0x1b: {  	s9 =	sadd.s32 $0xFFFFFEF7, lr;
	s5 =	simm.s32 $0xFFFFFFFF;
	p2 =	slt.u32 s8, $0xFFFFF086  }
0x1c: {  	p1 =	slt.u32 s9, $0xF7A;
	s5 =	simm.s32 @!p2 $0x0  }
0x1d: {  	s5 =	simm.s32 @p1 $0x1;
	p0 =	seq.s32 s7, s2  }
0x1e: {  	s7 =	smul.u32 @!p0 $0xF7A, s2;
	p2 =	seq.s32 @!p0 s5, $0x0  }
0x1f: {  	s9 =	smul.u32 $0xF7A, s1;
	s8 =	simm.s32 @!p0 $0x1BF5;
	p2 =	por !p2, p0  }
0x20: {  	[sflag:s8] =	ssyncset.s32 @!p0 $0xFFFFF086;
	s6 =	sadd.s32 @!p0 s3, s7;
	s7 =	simm.s32 @!p0 $0x108  }
0x21: {  	s3 =	sadd.s32 s3, s9;
	s6 =	sadd.s32 @!p0 $0x88, s6;
	s7 =	simm.s32 @p2 $0x1082  }
0x22: {  	[simem:s7], [sflag:s8] =	dma.local @!p0 [hbm:s6], $0xF7A  }
0x23: {  	s9 =	sor.u32 $0xD0000000, s2;
	s6 =	simm.s32 $0x108;
	_ =	swait.ge @!p0 [sflag:s8], $0x0  }
0x24: {  	s3 =	sadd.s32 $0x88, s3;
	s6 =	simm.s32 @!p1 $0x1082;
	[sflag:s4] =	ssyncset.s32 $0xFFFFF086  }
0x25: {  	[simem:s6], [sflag:s4] =	dma.local [hbm:s3], $0xF7A  }
0x26: {  	[smem:$0x3F96] =	sst s1;
	(tag) =	ssettag s2;
	_ =	strace s9  }
0x27: {  	s1 =	sld [smem:$0x3FA6]  }
0x28: {  	s2 =	sld [smem:$0x3FA7]  }
0x29: {  	s4 =	sld [smem:$0x3FA9]  }
0x2a: {  	p0 =	seq.s32 s5, $0x0;
	s5 =	sld [smem:$0x3FAA]  }
0x2b: {  	s6 =	sld [smem:$0x3FAB]  }
0x2c: {  	s7 =	sld [smem:$0x3FAC]  }
0x2d: {  	s3 =	simm.s32 $0x108;
	s8 =	sld [smem:$0x3FAD]  }
0x2e: {  	s3 =	simm.s32 @!p0 $0x1082;
	s9 =	sld [smem:$0x3FAE]  }
0x2f: {  	lr =	sadd.s32 s0, s3;
	s0 =	sld [smem:$0x3FA5]  }
0x30: {  	s3 =	sld [smem:$0x3FA8]  }
0x31: {  	[smem:$0x3FB1] =	sst s10  }
0x32: {  	s10 =	sld [smem:$0x3FAF];
	_ =	sdelay $0x3  }
0x33: {  	p0 =	seq.s32 s10, $0x1;
	s10 =	sld [smem:$0x3FB1];
	_ =	sdelay $0x3  }
0x34: {  	[smem:$0x3FB1] =	sst s10  }
0x35: {  	s10 =	sld [smem:$0x3FB0];
	_ =	sdelay $0x3  }
0x36: {  	p1 =	seq.s32 s10, $0x1;
	s10 =	sld [smem:$0x3FB1];
	_ =	sdelay $0x3  }
0x37: {  	[smem:$0x3FB1] =	sst s10  }
0x38: {  	s10 =	sld [smem:$0x3FB2]  }
0x39: {  	_ = 	snop;
	(pc) =	sbr.ind lr, $3  }
0x3a: {  	_ = 	snop  }
0x3b: {  	_ = 	snop  }
0x3c: {  	p2 =	seq.s32 s10, $0x1;
	s10 =	sld [smem:$0x3FB1]  }
0x3d: {  	_ =	shalt  }
0x3e: {  	_ =	shalt  }
0x3f: {  	_ =	shalt  }
0x40: {  	_ =	shalt  }
0x41: {  	_ =	shalt  }
0x42: {  	_ =	shalt  }
0x43: {  	_ =	shalt  }
0x44: {  	_ =	shalt  }
0x45: {  	_ =	shalt  }
0x46: {  	_ =	shalt  }
0x47: {  	_ =	shalt  }
0x48: {  	_ =	shalt  }
0x49: {  	_ =	shalt  }
0x4a: {  	_ =	shalt  }
0x4b: {  	_ =	shalt  }
0x4c: {  	_ =	shalt  }
0x4d: {  	_ =	shalt  }
0x4e: {  	_ =	shalt  }
0x4f: {  	_ =	shalt  }
0x50: {  	_ =	shalt  }
0x51: {  	_ =	shalt  }
0x52: {  	_ =	shalt  }
0x53: {  	_ =	shalt  }
0x54: {  	_ =	shalt  }
0x55: {  	_ =	shalt  }
0x56: {  	_ =	shalt  }
0x57: {  	_ =	shalt  }
0x58: {  	_ =	shalt  }
0x59: {  	_ =	shalt  }
0x5a: {  	_ =	shalt  }
0x5b: {  	_ =	shalt  }
0x5c: {  	_ =	shalt  }
0x5d: {  	_ =	shalt  }
0x5e: {  	_ =	shalt  }
0x5f: {  	_ =	shalt  }
0x60: {  	_ =	shalt  }
0x61: {  	_ =	shalt  }
0x62: {  	_ =	shalt  }
0x63: {  	_ =	shalt  }
0x64: {  	_ =	shalt  }
0x65: {  	_ =	shalt  }
0x66: {  	_ =	shalt  }
0x67: {  	_ =	shalt  }
0x68: {  	_ =	shalt  }
0x69: {  	_ =	shalt  }
0x6a: {  	_ =	shalt  }
0x6b: {  	_ =	shalt  }
0x6c: {  	_ =	shalt  }
0x6d: {  	_ =	shalt  }
0x6e: {  	_ =	shalt  }
0x6f: {  	_ =	shalt  }
0x70: {  	_ =	shalt  }
0x71: {  	_ =	shalt  }
0x72: {  	_ =	shalt  }
0x73: {  	_ =	shalt  }
0x74: {  	_ =	shalt  }
0x75: {  	_ =	shalt  }
0x76: {  	_ =	shalt  }
0x77: {  	_ =	shalt  }
0x78: {  	_ =	shalt  }
0x79: {  	_ =	shalt  }
0x7a: {  	_ =	shalt  }
0x7b: {  	_ =	shalt  }
0x7c: {  	_ =	shalt  }
0x7d: {  	_ =	shalt  }
0x7e: {  	_ =	shalt  }
0x7f: {  	_ =	shalt  }
0x80: {  	_ =	shalt  }
0x81: {  	_ =	shalt  }
0x82: {  	_ =	shalt  }
0x83: {  	_ =	shalt  }
0x84: {  	_ =	shalt  }
0x85: {  	_ =	shalt  }
0x86: {  	_ =	shalt  }
0x87: {  	_ =	shalt  }
.Lfunc_end0:
.L_simem_size_0:
called_computation_lowered:
.L_overlay_start_0:
0x88: {  	s2 =	sld [smem:$0x3FD9]  }
0x89: {  	s3 =	sld [smem:$0x3FFE];
	_ =	sdelay $0x1  }
0x8a: {  	s1 =	srdreg.scid  }
0x8b: {  	s0 =	sand.u32 $0x1, s1  }
0x8c: {  	s17 =	sshll.u32 s0, $0xA;
	s2 =	sadd.s32 s3, s2  }
0x8d: {  	s2 =	sadd.s32 s2, s17  }
0x8e: {  	[smem:$0x3FBD] =	sst s2  }
0x8f: {  	_ = 	snop  }
0x90: {  	s2 =	sld [smem:$0x3FD0];
	(tm) =	ssettm $0x1  }
0x91: {  	s18 =	sld [smem:$0x3FFB];
	_ =	sdelay $0x3  }
0x92: {  	_ =	strace s18  }
0x93: {  	s3 =	sld [smem:$0x3FFC];
	_ =	sdelay $0x3  }
0x94: {  	_ =	strace s3  }
0x95: {  	s3 =	sld [smem:$0x3FFD];
	_ =	sdelay $0x3  }
0x96: {  	_ =	strace s3  }
0x97: {  	_ =	strace $0x8FFFFFFF  }
0x98: {  	s19 =	sld [smem:$0x3FDB];
	_ =	sdelay $0x1  }
0x99: {  	s4 =	simm.s32 $_scs_section_size  }
0x9a: {  	s5 =	simm.s32 $_size__tile_overlayer_lowered;
	s6 =	simm.s32 $_tile_overlayer_lowered  }
0x9b: {  	s22 =	simm.s32 $0x1BFF;
	s21 =	sshll.u32 s6, $0x1;
	s3 =	sadd.s32 s4, s19  }
0x9c: {  	s7 =	simm.s32 $0x0;
	s20 =	sshll.u32 s5, $0x1;
	s5 =	sadd.s32 s21, s3  }
0x9d: {  	[timem:s7], [sflag:s22] =	dma.local [hbm:s5], s20  }
0x9e: {  	_ =	swait.ge [sflag:s22], s20  }
0x9f: {  	s4 =	ssub.s32 $0x0, s20;
	[sflag:s22] =	ssyncset.done $0x0  }
0xa0: {  	[sflag:s22] =	ssyncadd.s32 s4;
	_ =	sdelay $0x1  }
0xa1: {  	s23 =	simm.s32 $0x1B8B  }
0xa2: {  	_ =	swait.ge [sflag:s23], $0x1  }
0xa3: {  	[sflag:s23] =	ssyncset.done $0x0  }
0xa4: {  	s25 =	simm.s32 $0x1B8E;
	s24 =	sld [smem:$0x3FFE];
	[sflag:s23] =	ssyncadd.s32 $0xFFFFFFFF  }
0xa5: {  	s26 =	simm.s32 $execute0_lowered;
	[smem:$0x3FD2] =	sst s25  }
0xa6: {  	s5 =	sshll.u32 s26, $0x1;
	_ =	strace $0x80000046;
	[dreg:$0x1] =	wrdreg $0xFFFFFFFF  }
0xa7: {  	s28 =	simm.s32 $_size_execute0_lowered;
	s3 =	sadd.s32 s3, s5;
	[dreg:$0x0] =	wrdreg $0x0  }
0xa8: {  	s5 =	sshll.u32 s28, $0x1;
	[dreg:$0x2] =	wrdreg s3  }
0xa9: {  	[dreg:$0x3] =	wrdreg s5  }
0xaa: {  	[dreg:$0x4] =	wrdreg $0xC0  }
0xab: {  	_ =	task [dreg:s7], $0x5FFFF  }
0xac: {  	[dreg:$0x1] =	wrdreg $0xFFFFFFFF  }
0xad: {  	[dreg:$0x0] =	wrdreg $0x60  }
0xae: {  	[dreg:$0x2] =	wrdreg s2  }
0xaf: {  	[dreg:$0x3] =	wrdreg s24  }
0xb0: {  	[dreg:$0x4] =	wrdreg $0x9  }
0xb1: {  	_ =	task.clear_ibuf [dreg:s7], $0x5FFFF;
	_ =	strace $0x90000046  }
0xb2: {  	s29 =	simm.s32 $0x9;
	_ =	strace $0x80000048  }
0xb3: {  	_ =	swait.ge [sflag:s29], $0x1  }
0xb4: {  	[sflag:s29] =	ssyncadd.s32 $0xFFFFFFFF  }
0xb5: {  	_ =	strace $0x90000048  }
0xb6: {  	_ =	sfence  }
0xb7: {  	s30 =	sld [smem:$0x0];
	_ =	sdelay $0x2  }
0xb8: {  	s31 =	sshll.u32 s1, $0xD;
	s1 =	sshrl.u32 s1, $0x2  }
0xb9: {  	s3 =	sand.u32 $0x4000, s31;
	s1 =	sadd.s32 s1, s30  }
0xba: {  	s0 =	sor.u32 s3, s0;
	s1 =	sshll.u32 s1, $0x11  }
0xbb: {  	s0 =	sor.u32 s1, s0  }
0xbc: {  	s0 =	sadd.s32 $0x8F2B, s0  }
0xbd: {  	[sflag:s0] =	ssyncadd.remote.s32 $0x1  }
0xbe: {  	_ =	sfence.sel $0xFFFF  }
0xbf: {  	[dreg:$0x0] =	wrdreg $0xFFFFFFFF;
	(pc) =	sbr.abs _section_cstart, $3  }
0xc0: {  	[dreg:$0x1] =	wrdreg $0xFFFFFFFF  }
0xc1: {  	_ =	task.clear_ibuf [dreg:s7], $0x2FFFF;
	_ =	strace $0x9FFFFFFF  }
0xc2: {  	(tm) =	ssettm $0x7FFFFFFF  }
0xc3: {  	_ =	shalt  }
tec
execute0_lowered:
.L_overlay_start_1:
0x0: {  	(tag) =	ssettag $0x1  }
0x1: {  	s1 =	rddreg [dreg:$0x0]  }
0x2: {  	s0 =	rddreg [dreg:$0x1];
	s3 =	simm.s32 $0x0  }
0x3: {  	s9 =	stileid.u32;
	s2 =	srdreg.scid;
	s10 =	simm.s32 $0x4700  }
0x4: {  	s11 =	simm.s32 $0x8600;
	s12 =	simm.s32 $0x1;
	s13 =	simm.s32 $0x2  }
0x5: {  	s14 =	simm.s32 $0x50;
	s15 =	simm.s32 $0xA580;
	s16 =	simm.s32 $0xCD80  }
0x6: {  	s18 =	simm.s32 $0xF580;
	s19 =	simm.s32 $0x3;
	s20 =	simm.s32 $0x11D80  }
0x7: {  	s21 =	simm.s32 $0x4;
	s22 =	simm.s32 $0x14580;
	s23 =	simm.s32 $0x5  }
0x8: {  	s24 =	simm.s32 $0x8;
	s25 =	simm.s32 $0x6;
	s26 =	simm.s32 $0x9  }
0x9: {  	s28 =	simm.s32 $0x7;
	s29 =	simm.s32 $0xA;
	[smem:$0x7FF] =	sst s3  }
0xa: {  	s4 =	sadd.s32 $0x2000, s0;
	s6 =	smul.u32 $0x4E200, s9;
	s2 =	sand.u32 $0x1, s2  }
0xb: {  	s5 =	sadd.s32 $0xBE00, s0;
	s7 =	ssub.s32 $0x2, s2;
	s8 =	smul.u32 $0x27100, s2  }
.Ltmp0:
0xc: {  	s9 =	sshll.u32 s9, $0x1;
	s30 =	sshrl.u32 s7, $0x1;
	(pc) =	sbr.rel .LBB2_1-.Ltmp0, $4  }
0xd: {  	s2 =	sor.u32 s2, s9;
	s0 =	sadd.s32 s6, s0;
	s6 =	ssub.s32 s7, s30  }
0xe: {  	s2 =	smul.u32 $0x2710, s2;
	s0 =	sadd.s32 s8, s0;
	s6 =	smax.u32 s6, $0x1  }
0xf: {  	_ =	strace $0x80000047;
	s0 =	sadd.s32 $0x3E800, s0;
	[dreg:$0x3] =	wrdreg s6  }
0x10: {  	v1 =	vlaneseq.u32;
	s31 =	simm.s32 $0xC;
	v0 =	vmov s2;
	[dreg:$0x4] =	wrdreg s0;
	s0 =	simm.s32 $0x0  }
.LBB2_12:
0x11: {  	s2 =	simm.s32 $0xB  }
0x12: {  	_ =	swait.ge [sflag:s2], $0x2800  }
0x13: {  	[sflag:s2] =	ssyncset.done $0x0  }
0x14: {  	[sflag:s2] =	ssyncadd.s32 $0xFFFFD800  }
0x15: {  	_ =	swait.ge [sflag:s31], $0x2800  }
0x16: {  	s0 =	sadd.s32 $0x1, s0;
	s30 =	rddreg [dreg:$0x3]  }
0x17: {  	p0 =	sne.s32 s0, s30  }
.Ltmp1:
0x18: {  	_ = 	snop;
	(pc) =	sbr.rel @!p0 .LBB2_13-.Ltmp1, $3  }
0x19: {  	_ =	sdelay $0x1  }
0x1a: {  	[sflag:s31] =	ssyncset.done $0x0  }
0x1b: {  	[sflag:s31] =	ssyncadd.s32 $0xFFFFD800  }
.LBB2_1:
0x1c: {  	v2 =	vor.u32 s3, v1  }
0x1d: {  	v2 =	vand.u32 $0x7FF, v2  }
0x1e: {  	v2 =	vadd.s32 $0x2710, v2  }
0x1f: {  	s2 =	simm.s32 $0x10;
	s6 =	simm.s32 $0x0;
	[tilespmem:s3+$0x0] =	vst v2  }
.LBB2_2:
0x20: {  	p0 =	sne.s32 s2, $0x2700  }
.Ltmp2:
0x21: {  	_ = 	snop;
	(pc) =	sbr.rel @p0 .LBB2_2-.Ltmp2, $4  }
0x22: {  	v2 =	vor.u32 s2, v1  }
0x23: {  	v2 =	vand.u32 $0x7FF, v2  }
0x24: {  	s6 =	sadd.s32 $0x10, s6;
	v2 =	vadd.s32 $0x2710, v2  }
0x25: {  	s2 =	sadd.s32 $0x10, s2;
	[tilespmem:s6+$0x0] =	vst v2  }
0x26: {  	s2 =	simm.s32 $0x0;
	s6 =	simm.s32 $0x2780  }
0x27: {  	[tilespmem:s6], [sflag:$0x1] =	stream.linear.gather [hbm4b:s1+s2], $0x1F40, $0x38;
	[tilespmem:$0x16D80] =	vst v63  }
0x28: {  	s30 =	simm.s32 $0x6680;
	s8 =	simm.s32 $0x0  }
0x29: {  	[tilespmem:s30], [sflag:$0x1] =	stream.linear.gather [hbm4b:s4+s2], $0x1F40, $0x38;
	[tilespmem:$0x16D80] =	vst v63  }
.LBB2_4:
0x2a: {  	s9 =	smul.u32 $0x3E80, s8;
	_ =	sdelay $0x1  }
0x2b: {  	s6 =	sshrl.u32 s9, $0x3  }
0x2c: {  	s6 =	sadd.s32 $0x3E8, s6  }
0x2d: {  	s7 =	sadd.s32 s1, s6  }
0x2e: {  	[tilespmem:s10], [sflag:$0x2] =	stream.linear.gather [hbm4b:s7+s2], $0x1F40, $0x38;
	[tilespmem:$0x16D80] =	vst v63  }
0x2f: {  	s6 =	sadd.s32 s4, s6  }
0x30: {  	[tilespmem:s11], [sflag:$0x2] =	stream.linear.gather [hbm4b:s6+s2], $0x1F40, $0x38;
	[tilespmem:$0x16D80] =	vst v63  }
0x31: {  	_ =	swait.ge [sflag:s12], $0x1F40  }
0x32: {  	[sflag:s12] =	ssyncset.done $0x0  }
0x33: {  	[sflag:s12] =	ssyncadd.s32 $0xFFFFE0C0  }
0x34: {  	_ =	swait.ge [sflag:s12], $0x1F40  }
0x35: {  	s17 =	simm.s32 $0x27D0;
	[sflag:s12] =	ssyncset.done $0x0  }
0x36: {  	s7 =	simm.s32 $0x0;
	s6 =	simm.s32 $0x66D0;
	[sflag:s12] =	ssyncadd.s32 $0xFFFFE0C0  }
.LBB2_5:
0x37: {  	v2 =	vld [tilespmem:s17+$0xFFFFFFB0];
	_ =	sdelay $0x4  }
0x38: {  	v2 =	vsub.s32 v2, v0  }
0x39: {  	vm0 =	vlt.u32 v2, $0x2710  }
0x3a: {  	v3 =	vld [tilespmem:s6+$0xFFFFFFB0];
	_ =	sdelay $0x4  }
0x3b: {  	[tilespmem:v2+s3+$0x0] =	vst.idx.msk vm0, v3  }
0x3c: {  	v2 =	vld [tilespmem:s17+$0xFFFFFFC0];
	_ =	sdelay $0x4  }
0x3d: {  	v2 =	vsub.s32 v2, v0  }
0x3e: {  	vm7 =	vlt.u32 v2, $0x2710  }
0x3f: {  	v3 =	vld [tilespmem:s6+$0xFFFFFFC0];
	_ =	sdelay $0x4  }
0x40: {  	[tilespmem:v2+s3+$0x0] =	vst.idx.msk vm7, v3  }
0x41: {  	v2 =	vld [tilespmem:s17+$0xFFFFFFD0];
	_ =	sdelay $0x4  }
0x42: {  	v2 =	vsub.s32 v2, v0  }
0x43: {  	vm8 =	vlt.u32 v2, $0x2710  }
0x44: {  	v3 =	vld [tilespmem:s6+$0xFFFFFFD0];
	_ =	sdelay $0x4  }
0x45: {  	[tilespmem:v2+s3+$0x0] =	vst.idx.msk vm8, v3  }
0x46: {  	v2 =	vld [tilespmem:s17+$0xFFFFFFE0];
	_ =	sdelay $0x4  }
0x47: {  	v2 =	vsub.s32 v2, v0  }
0x48: {  	vm9 =	vlt.u32 v2, $0x2710  }
0x49: {  	v3 =	vld [tilespmem:s6+$0xFFFFFFE0];
	_ =	sdelay $0x4  }
0x4a: {  	[tilespmem:v2+s3+$0x0] =	vst.idx.msk vm9, v3  }
0x4b: {  	v2 =	vld [tilespmem:s17+$0xFFFFFFF0];
	_ =	sdelay $0x4  }
0x4c: {  	v2 =	vsub.s32 v2, v0  }
0x4d: {  	vm10 =	vlt.u32 v2, $0x2710  }
0x4e: {  	v3 =	vld [tilespmem:s6+$0xFFFFFFF0];
	_ =	sdelay $0x4  }
0x4f: {  	[tilespmem:v2+s3+$0x0] =	vst.idx.msk vm10, v3  }
0x50: {  	v2 =	vld [tilespmem:s17+$0x0];
	_ =	sdelay $0x4  }
0x51: {  	v2 =	vsub.s32 v2, v0  }
0x52: {  	vm11 =	vlt.u32 v2, $0x2710  }
0x53: {  	v3 =	vld [tilespmem:s6+$0x0];
	_ =	sdelay $0x4  }
0x54: {  	[tilespmem:v2+s3+$0x0] =	vst.idx.msk vm11, v3  }
0x55: {  	v2 =	vld [tilespmem:s17+$0x10];
	_ =	sdelay $0x4  }
0x56: {  	v2 =	vsub.s32 v2, v0  }
0x57: {  	vm12 =	vlt.u32 v2, $0x2710  }
0x58: {  	v3 =	vld [tilespmem:s6+$0x10];
	_ =	sdelay $0x4  }
0x59: {  	[tilespmem:v2+s3+$0x0] =	vst.idx.msk vm12, v3  }
0x5a: {  	v2 =	vld [tilespmem:s17+$0x20];
	_ =	sdelay $0x4  }
0x5b: {  	v2 =	vsub.s32 v2, v0  }
0x5c: {  	vm13 =	vlt.u32 v2, $0x2710  }
0x5d: {  	v3 =	vld [tilespmem:s6+$0x20];
	_ =	sdelay $0x4  }
0x5e: {  	s30 =	sand.u32 $0x3FE0, s7;
	[tilespmem:v2+s3+$0x0] =	vst.idx.msk vm13, v3  }
0x5f: {  	v2 =	vld [tilespmem:s30+$0x2800];
	_ =	sdelay $0x4  }
0x60: {  	v2 =	vsub.s32 v2, v0  }
0x61: {  	vm14 =	vlt.u32 v2, $0x2710  }
0x62: {  	v3 =	vld [tilespmem:s30+$0x6700];
	_ =	sdelay $0x4  }
0x63: {  	[tilespmem:v2+s3+$0x0] =	vst.idx.msk vm14, v3  }
0x64: {  	v2 =	vld [tilespmem:s17+$0x40];
	_ =	sdelay $0x4  }
0x65: {  	v2 =	vsub.s32 v2, v0  }
0x66: {  	vm15 =	vlt.u32 v2, $0x2710  }
0x67: {  	p0 =	sne.s32 s7, $0x1EA0;
	v3 =	vld [tilespmem:s6+$0x40]  }
.Ltmp3:
0x68: {  	_ = 	snop;
	(pc) =	sbr.rel @p0 .LBB2_5-.Ltmp3, $2  }
0x69: {  	_ =	sdelay $0x2  }
0x6a: {  	s7 =	sadd.s32 $0xA0, s7;
	s17 =	sadd.s32 $0xA0, s17;
	s6 =	sadd.s32 $0xA0, s6;
	[tilespmem:v2+s3+$0x0] =	vst.idx.msk vm15, v3  }
0x6b: {  	p0 =	seq.s32 s8, $0x13  }
0x6c: {  	s6 =	sshrl.u32 @!p0 s9, $0x3  }
0x6d: {  	s6 =	sadd.s32 @!p0 $0x7D0, s6  }
0x6e: {  	s9 =	simm.s32 @!p0 $0x0;
	s17 =	simm.s32 @!p0 $0x2780;
	s7 =	sadd.s32 @!p0 s1, s6  }
0x6f: {  	[tilespmem:s17], [sflag:$0x1] =	stream.linear.gather @!p0 [hbm4b:s7+s9], $0x1F40, $0x38;
	[tilespmem:$0x16D80] =	vst v63  }
0x70: {  	s6 =	sadd.s32 @!p0 s4, s6;
	s7 =	simm.s32 @!p0 $0x6680  }
0x71: {  	[tilespmem:s7], [sflag:$0x1] =	stream.linear.gather @!p0 [hbm4b:s6+s9], $0x1F40, $0x38;
	[tilespmem:$0x16D80] =	vst v63  }
0x72: {  	_ =	swait.ge [sflag:s13], $0x1F40  }
0x73: {  	[sflag:s13] =	ssyncset.done $0x0  }
0x74: {  	[sflag:s13] =	ssyncadd.s32 $0xFFFFE0C0  }
0x75: {  	_ =	swait.ge [sflag:s13], $0x1F40  }
0x76: {  	s9 =	simm.s32 $0x0;
	[sflag:s13] =	ssyncset.done $0x0  }
0x77: {  	s6 =	simm.s32 $0x4750;
	s7 =	simm.s32 $0x8650;
	[sflag:s13] =	ssyncadd.s32 $0xFFFFE0C0  }
.LBB2_7:
0x78: {  	v2 =	vld [tilespmem:s6+$0xFFFFFFB0];
	_ =	sdelay $0x4  }
0x79: {  	v2 =	vsub.s32 v2, v0  }
0x7a: {  	vm0 =	vlt.u32 v2, $0x2710  }
0x7b: {  	v3 =	vld [tilespmem:s7+$0xFFFFFFB0];
	_ =	sdelay $0x4  }
0x7c: {  	[tilespmem:v2+s3+$0x0] =	vst.idx.msk vm0, v3  }
0x7d: {  	v2 =	vld [tilespmem:s6+$0xFFFFFFC0];
	_ =	sdelay $0x4  }
0x7e: {  	v2 =	vsub.s32 v2, v0  }
0x7f: {  	vm7 =	vlt.u32 v2, $0x2710  }
0x80: {  	v3 =	vld [tilespmem:s7+$0xFFFFFFC0];
	_ =	sdelay $0x4  }
0x81: {  	[tilespmem:v2+s3+$0x0] =	vst.idx.msk vm7, v3  }
0x82: {  	v2 =	vld [tilespmem:s6+$0xFFFFFFD0];
	_ =	sdelay $0x4  }
0x83: {  	v2 =	vsub.s32 v2, v0  }
0x84: {  	vm8 =	vlt.u32 v2, $0x2710  }
0x85: {  	v3 =	vld [tilespmem:s7+$0xFFFFFFD0];
	_ =	sdelay $0x4  }
0x86: {  	[tilespmem:v2+s3+$0x0] =	vst.idx.msk vm8, v3  }
0x87: {  	v2 =	vld [tilespmem:s6+$0xFFFFFFE0];
	_ =	sdelay $0x4  }
0x88: {  	v2 =	vsub.s32 v2, v0  }
0x89: {  	vm9 =	vlt.u32 v2, $0x2710  }
0x8a: {  	v3 =	vld [tilespmem:s7+$0xFFFFFFE0];
	_ =	sdelay $0x4  }
0x8b: {  	[tilespmem:v2+s3+$0x0] =	vst.idx.msk vm9, v3  }
0x8c: {  	v2 =	vld [tilespmem:s6+$0xFFFFFFF0];
	_ =	sdelay $0x4  }
0x8d: {  	v2 =	vsub.s32 v2, v0  }
0x8e: {  	vm10 =	vlt.u32 v2, $0x2710  }
0x8f: {  	v3 =	vld [tilespmem:s7+$0xFFFFFFF0];
	_ =	sdelay $0x4  }
0x90: {  	[tilespmem:v2+s3+$0x0] =	vst.idx.msk vm10, v3  }
0x91: {  	v2 =	vld [tilespmem:s6+$0x0];
	_ =	sdelay $0x4  }
0x92: {  	v2 =	vsub.s32 v2, v0  }
0x93: {  	vm11 =	vlt.u32 v2, $0x2710  }
0x94: {  	v3 =	vld [tilespmem:s7+$0x0];
	_ =	sdelay $0x4  }
0x95: {  	[tilespmem:v2+s3+$0x0] =	vst.idx.msk vm11, v3  }
0x96: {  	v2 =	vld [tilespmem:s6+$0x10];
	_ =	sdelay $0x4  }
0x97: {  	v2 =	vsub.s32 v2, v0  }
0x98: {  	vm12 =	vlt.u32 v2, $0x2710  }
0x99: {  	v3 =	vld [tilespmem:s7+$0x10];
	_ =	sdelay $0x4  }
0x9a: {  	[tilespmem:v2+s3+$0x0] =	vst.idx.msk vm12, v3  }
0x9b: {  	v2 =	vld [tilespmem:s6+$0x20];
	_ =	sdelay $0x4  }
0x9c: {  	v2 =	vsub.s32 v2, v0  }
0x9d: {  	vm13 =	vlt.u32 v2, $0x2710  }
0x9e: {  	v3 =	vld [tilespmem:s7+$0x20];
	_ =	sdelay $0x4  }
0x9f: {  	s17 =	sand.u32 $0x3FE0, s9;
	[tilespmem:v2+s3+$0x0] =	vst.idx.msk vm13, v3  }
0xa0: {  	v2 =	vld [tilespmem:s17+$0x4780];
	_ =	sdelay $0x4  }
0xa1: {  	v2 =	vsub.s32 v2, v0  }
0xa2: {  	vm14 =	vlt.u32 v2, $0x2710  }
0xa3: {  	v3 =	vld [tilespmem:s17+$0x8680];
	_ =	sdelay $0x4  }
0xa4: {  	[tilespmem:v2+s3+$0x0] =	vst.idx.msk vm14, v3  }
0xa5: {  	v2 =	vld [tilespmem:s6+$0x40];
	_ =	sdelay $0x4  }
0xa6: {  	v2 =	vsub.s32 v2, v0  }
0xa7: {  	vm15 =	vlt.u32 v2, $0x2710  }
0xa8: {  	p0 =	sne.s32 s9, $0x1EA0;
	v3 =	vld [tilespmem:s7+$0x40]  }
.Ltmp4:
0xa9: {  	_ = 	snop;
	(pc) =	sbr.rel @p0 .LBB2_7-.Ltmp4, $2  }
0xaa: {  	_ =	sdelay $0x2  }
0xab: {  	s9 =	sadd.s32 $0xA0, s9;
	s6 =	sadd.s32 $0xA0, s6;
	s7 =	sadd.s32 $0xA0, s7;
	[tilespmem:v2+s3+$0x0] =	vst.idx.msk vm15, v3  }
0xac: {  	s8 =	sadd.s32 $0x1, s8  }
0xad: {  	p0 =	sne.s32 s8, $0x14  }
.Ltmp5:
0xae: {  	_ = 	snop;
	(pc) =	sbr.rel @p0 .LBB2_4-.Ltmp5, $1  }
0xaf: {  	_ =	sdelay $0x3  }
0xb0: {  	s2 =	simm.s32 $0x0  }
0xb1: {  	[tilespmem:s15], [sflag:$0x3] =	stream.indirect.gather [hbm4b:s5+s14], $0x80, s2, s14, $0xb8;
	[tilespmem:$0x16D80] =	vst v63  }
0xb2: {  	_ = 	snop  }
0xb3: {  	[tilespmem:s16], [sflag:$0x4] =	stream.indirect.gather [hbm4b:s5+s14], $0x80, s14, s14, $0xb8;
	[tilespmem:$0x16D80] =	vst v63  }
0xb4: {  	s6 =	simm.s32 $0xA0;
	s8 =	rddreg [dreg:$0x4]  }
0xb5: {  	[tilespmem:s18], [sflag:$0x5] =	stream.indirect.gather [hbm4b:s5+s14], $0x80, s6, s14, $0xb8;
	[tilespmem:$0x16D80] =	vst v63  }
.LBB2_10:
0xb6: {  	_ =	swait.ge [sflag:s19], $0x2800  }
0xb7: {  	p0 =	seq.s32 s2, $0x0;
	[sflag:s19] =	ssyncset.done $0x0  }
0xb8: {  	s6 =	sadd.s32 $0xFFFFF600, s8;
	s7 =	simm.s32 @!p0 $0xB;
	[sflag:s19] =	ssyncadd.s32 $0xFFFFD800  }
0xb9: {  	[hbm4b:s6+s3] =	stream.linear.scatter [tilespmem:s15], [sflag:$0x8], $0x2800, $0x38;
	[tilespmem:$0x16D80] =	vst v63  }
0xba: {  	_ =	swait.ge @!p0 [sflag:s7], $0x2800  }
0xbb: {  	s6 =	sshra.s32 s2, $0x2;
	[sflag:s7] =	ssyncset.done @!p0 $0x0  }
0xbc: {  	s30 =	sadd.s32 $0xF0, s6;
	[sflag:s7] =	ssyncadd.s32 @!p0 $0xFFFFD800  }
0xbd: {  	[tilespmem:s20], [sflag:$0x6] =	stream.indirect.gather [hbm4b:s5+s14], $0x80, s30, s14, $0xb8;
	[tilespmem:$0x16D80] =	vst v63  }
0xbe: {  	_ =	swait.ge [sflag:s21], $0x2800  }
0xbf: {  	[sflag:s21] =	ssyncset.done $0x0  }
0xc0: {  	s9 =	sadd.s32 $0xFFFFFB00, s8;
	s7 =	simm.s32 @!p0 $0xC;
	[sflag:s21] =	ssyncadd.s32 $0xFFFFD800  }
0xc1: {  	[hbm4b:s9+s3] =	stream.linear.scatter [tilespmem:s16], [sflag:$0x9], $0x2800, $0x38;
	[tilespmem:$0x16D80] =	vst v63  }
0xc2: {  	_ =	swait.ge @!p0 [sflag:s7], $0x2800  }
0xc3: {  	[sflag:s7] =	ssyncset.done @!p0 $0x0  }
0xc4: {  	s17 =	sadd.s32 $0x140, s6;
	[sflag:s7] =	ssyncadd.s32 @!p0 $0xFFFFD800  }
0xc5: {  	[tilespmem:s22], [sflag:$0x7] =	stream.indirect.gather [hbm4b:s5+s14], $0x80, s17, s14, $0xb8;
	[tilespmem:$0x16D80] =	vst v63  }
0xc6: {  	_ =	swait.ge [sflag:s23], $0x2800  }
0xc7: {  	[sflag:s23] =	ssyncset.done $0x0  }
0xc8: {  	[sflag:s23] =	ssyncadd.s32 $0xFFFFD800  }
0xc9: {  	[hbm4b:s8+s3] =	stream.linear.scatter [tilespmem:s18], [sflag:$0xA], $0x2800, $0x38;
	[tilespmem:$0x16D80] =	vst v63  }
0xca: {  	p0 =	seq.s32 s2, $0x9600;
	_ =	swait.ge [sflag:s24], $0x2800  }
0xcb: {  	s7 =	sshra.s32 @!p0 s2, $0x2;
	s17 =	simm.s32 @!p0 $0x50;
	[sflag:s24] =	ssyncset.done $0x0  }
0xcc: {  	s30 =	simm.s32 @!p0 $0xA580;
	s9 =	sadd.s32 @!p0 $0x190, s7;
	[sflag:s24] =	ssyncadd.s32 $0xFFFFD800  }
0xcd: {  	[tilespmem:s30], [sflag:$0x3] =	stream.indirect.gather @!p0 [hbm4b:s5+s17], $0x80, s9, s17, $0xb8;
	[tilespmem:$0x16D80] =	vst v63  }
0xce: {  	_ =	swait.ge [sflag:s25], $0x2800  }
0xcf: {  	[sflag:s25] =	ssyncset.done $0x0  }
0xd0: {  	s30 =	sadd.s32 $0x500, s8;
	[sflag:s25] =	ssyncadd.s32 $0xFFFFD800  }
0xd1: {  	[hbm4b:s30+s3] =	stream.linear.scatter [tilespmem:s20], [sflag:$0xB], $0x2800, $0x38;
	[tilespmem:$0x16D80] =	vst v63  }
0xd2: {  	_ =	swait.ge [sflag:s26], $0x2800  }
0xd3: {  	[sflag:s26] =	ssyncset.done $0x0  }
0xd4: {  	s7 =	sadd.s32 @!p0 $0x1E0, s7;
	s9 =	simm.s32 @!p0 $0xCD80;
	[sflag:s26] =	ssyncadd.s32 $0xFFFFD800  }
0xd5: {  	[tilespmem:s9], [sflag:$0x4] =	stream.indirect.gather @!p0 [hbm4b:s5+s17], $0x80, s7, s17, $0xb8;
	[tilespmem:$0x16D80] =	vst v63  }
0xd6: {  	_ =	swait.ge [sflag:s28], $0x2800  }
0xd7: {  	[sflag:s28] =	ssyncset.done $0x0  }
.Ltmp6:
0xd8: {  	s30 =	sadd.s32 $0xA00, s8;
	[sflag:s28] =	ssyncadd.s32 $0xFFFFD800;
	(pc) =	sbr.rel @p0 .LBB2_12-.Ltmp6, $4  }
0xd9: {  	[hbm4b:s30+s3] =	stream.linear.scatter [tilespmem:s22], [sflag:$0xC], $0x2800, $0x38;
	[tilespmem:$0x16D80] =	vst v63  }
0xda: {  	_ =	swait.ge [sflag:s29], $0x2800  }
0xdb: {  	[sflag:s29] =	ssyncset.done $0x0  }
0xdc: {  	[sflag:s29] =	ssyncadd.s32 $0xFFFFD800  }
.Ltmp7:
0xdd: {  	(pc) =	sbr.rel .LBB2_10-.Ltmp7, $3  }
0xde: {  	_ =	sdelay $0x1  }
0xdf: {  	s6 =	sadd.s32 $0x230, s6;
	s2 =	sadd.s32 $0x640, s2;
	s8 =	sadd.s32 $0x1900, s8  }
0xe0: {  	[tilespmem:s18], [sflag:$0x5] =	stream.indirect.gather [hbm4b:s5+s14], $0x80, s6, s14, $0xb8;
	[tilespmem:$0x16D80] =	vst v63  }
.LBB2_13:
0xe1: {  	_ =	sfence.sel $0x180000  }
0xe2: {  	[bflag:$0x0] =	sbarrier.arrive $0xFFFF  }
0xe3: {  	_ =	strace $0x90000047  }
0xe4: {  	s0 =	stileid.u32;
	[bflag:$0x2] =	sbarrier.arrive $0xFFFF  }
0xe5: {  	p0 =	sne.s32 s0, $0x0;
	s0 =	rddreg [dreg:$0x2]  }
0xe6: {  	s0 =	sadd.s32 @!p0 $0x100000, s0  }
0xe7: {  	[sflag:s0] =	ssyncadd.tile.s32 @!p0 $0x1;
	_ =	shalt  }
.Lfunc_end2:
_tile_overlayer_lowered:
.L_overlay_start_2:
0xe8: {  	(tag) =	ssettag $0x2  }
0xe9: {  	s0 =	rddreg [dreg:$0x0];
	s2 =	stileid.u32  }
0xea: {  	s1 =	rddreg [dreg:$0x1];
	p0 =	sne.s32 s2, $0x0  }
0xeb: {  	s3 =	rddreg [dreg:$0x2];
	[bflag:$0x3] =	sbarrier.arrive $0xFFFF;
	s2 =	simm.s32 @!p0 $0x1C0D  }
0xec: {  	[timem:s3], [sflag:s2] =	dma.local @!p0 [hbm:s0], s1  }
0xed: {  	s0 =	simm.s32 @!p0 $0xD  }
0xee: {  	_ =	swait.ge @!p0 [sflag:s0], s1  }
0xef: {  	s1 =	ssub.s32 @!p0 $0x0, s1;
	[sflag:s0] =	ssyncset.done @!p0 $0x0  }
0xf0: {  	[sflag:s0] =	ssyncadd.s32 @!p0 s1  }
0xf1: {  	[bflag:$0x3] =	sbarrier.arrive $0xFFFF  }
0xf2: {  	_ =	shalt  }

</sc_bundles>
